<compile_context>
chip_gen: v7x
topology: tpu7x:2x2x1
jax: 0.10.2.dev20260603
libtpu: 0.0.44.dev20260713+nightly
codegen_flags: <defaults>
</compile_context>

<pallas_src>
import functools

import jax
import jax.numpy as jnp
from jax import lax
from jax.experimental import pallas as pl
from jax.experimental.pallas import tpu as pltpu
from jax.experimental.pallas import tpu_sc as plsc

_NS = 16
_L = 16
_R_SC = 128
_BT = 640


def _sc_call(x, pos_table, T, H):
    rows_w = _R_SC // _NS
    row0_sc = T - _R_SC
    mesh = plsc.VectorSubcoreMesh(core_axis_name="c", subcore_axis_name="s",
                                  num_cores=1)

    @functools.partial(
        pl.kernel,
        out_type=jax.ShapeDtypeStruct((_R_SC, H), jnp.float32),
        mesh=mesh,
        scratch_types=[
            pltpu.VMEM((H,), jnp.float32),
            pltpu.VMEM((rows_w, H), jnp.float32),
        ],
    )
    def sc_add(x_hbm, pos_hbm, out_hbm, xv, buf):
        wid = lax.axis_index("s")
        base = wid * rows_w
        pltpu.sync_copy(x_hbm, xv)
        pltpu.sync_copy(pos_hbm.at[pl.ds(row0_sc + base, rows_w)], buf)

        def panel_body(jp, carry):
            col0 = jp * (8 * _L)
            xvals = [xv[pl.ds(col0 + k * _L, _L)] for k in range(8)]
            for r in range(rows_w):
                for k in range(8):
                    plsc.addupdate(buf.at[r, pl.ds(col0 + k * _L, _L)],
                                   xvals[k])
            return carry

        lax.fori_loop(0, H // (8 * _L), panel_body, 0)
        pltpu.sync_copy(buf, out_hbm.at[pl.ds(base, rows_w)])

    return sc_add(x.reshape(T), pos_table)


def _tc_body(x_ref, pos_ref, o_ref):
    o_ref[...] = pos_ref[...] + x_ref[...]


def kernel(x, pos_table):
    B, T = x.shape
    H = pos_table.shape[1]
    r_tc = T - _R_SC

    sc_out = _sc_call(x, pos_table, T, H)

    tc_out = pl.pallas_call(
        _tc_body,
        grid=(r_tc // _BT,),
        in_specs=[
            pl.BlockSpec((1, H), lambda i: (0, 0)),
            pl.BlockSpec((_BT, H), lambda i: (i, 0)),
        ],
        out_specs=pl.BlockSpec((_BT, H), lambda i: (i, 0)),
        out_shape=jax.ShapeDtypeStruct((T, H), jnp.float32),
    )(x, pos_table)

    out = lax.dynamic_update_slice(tc_out, sc_out, (r_tc, 0))
    return out[None]

# --- scband reference (transcript-rebuilt; emitter-appended) ---
"""Pipeline reference for scband-learned-positional-encoding-33337536152255 (READ-ONLY COPY).

The authoritative reference and input builder live on the scoring server;
editing this copy changes nothing except your own understanding.
"""

import jax, jax.numpy as jnp
import numpy as np

MAX_LEN = 4096
NUM_HIDDENS = 2048
B = 1
T = 2048


def setup_inputs(seed: int = 0) -> dict:
    key = jax.random.key(seed)
    kx, kw = jax.random.split(key)
    x = jax.random.normal(kx, (B, T), dtype=jnp.float32)
    pos_table = jax.random.normal(kw, (MAX_LEN, NUM_HIDDENS), dtype=jnp.float32) * 0.02
    return {"x": x, "pos_table": pos_table}


def reference(x, pos_table):
    # Faithful translation of LearnedPositionalEncoding.forward
    # NOTE: the original torch module unpacks x as [B, T] and adds a
    # [B, T, H] positional embedding; this only broadcasts when B == 1
    # and T == num_hiddens, which the chosen shapes satisfy.
    Bx, Tx = x.shape
    positions = jnp.broadcast_to(jnp.arange(Tx, dtype=jnp.int32), (Bx, Tx))
    pos_emb = jnp.take(pos_table, positions, axis=0)  # [B, T, H] embedding gather
    out = x + pos_emb  # broadcast add, same semantics as torch
    # dropout(p=0.0) is the identity
    return out

if __name__ == "__main__":
    import jax
    _d = setup_inputs()
    print(jax.jit(kernel)(*tuple(_d.values())))

</pallas_src>

<mosaic_0001>
#map = affine_map<(d0, d1) -> (0)>
#map1 = affine_map<(d0, d1) -> (0, 0)>
module attributes {stable_mosaic.version = 14 : i64} {
  func.func @sc_add(%arg0: i32, %arg1: i32, %arg2: memref<2048xf32, #tpu.memory_space<hbm>>, %arg3: memref<4096x2048xf32, #tpu.memory_space<hbm>>, %arg4: memref<128x2048xf32, #tpu.memory_space<hbm>>, %arg5: memref<2048xf32, #tpu.memory_space<vmem>>, %arg6: memref<8x2048xf32, #tpu.memory_space<vmem>>) attributes {dimension_semantics = [#tpu.dimension_semantics<core_parallel>, #tpu.dimension_semantics<subcore_parallel>], iteration_bounds = array<i64: 1, 16>, scalar_prefetch = 0 : i64, scratch_operands = 2 : i64, tpu.core_type = #tpu.core_type<sc_vector_subcore>, window_params = [{transform_indices = #map}, {transform_indices = #map1}, {transform_indices = #map1}]} {
    %mul3A = arith.constant 8 : i32
    %mul3A_0 = arith.muli %arg1, %mul3A : i32
    "tpu.region"() ({
      %run_scoped3A = tpu.sem_alloc : memref<!tpu.dma_semaphore, #tpu.memory_space<semaphore_mem>>
      tpu.enqueue_dma source(%arg2 : memref<2048xf32, #tpu.memory_space<hbm>>) target(%arg5 : memref<2048xf32, #tpu.memory_space<vmem>>) target_semaphore(%run_scoped3A : memref<!tpu.dma_semaphore, #tpu.memory_space<semaphore_mem>>)
      tpu.wait_dma2 semaphore(%run_scoped3A : memref<!tpu.dma_semaphore, #tpu.memory_space<semaphore_mem>>) src(%arg2 : memref<2048xf32, #tpu.memory_space<hbm>>) dst(%arg5 : memref<2048xf32, #tpu.memory_space<vmem>>)
      tpu.yield
    }) : () -> ()
    %add3A = arith.constant 1920 : i32
    %add3A_1 = arith.addi %add3A, %mul3A_0 : i32
    "tpu.region"() ({
      %run_scoped3A = tpu.sem_alloc : memref<!tpu.dma_semaphore, #tpu.memory_space<semaphore_mem>>
      %dma_start3A = arith.constant 0 : i32
      %dma_start3A_7 = tpu.memref_slice %arg3[%add3A_1, %dma_start3A] : memref<4096x2048xf32, #tpu.memory_space<hbm>> -> memref<8x2048xf32, #tpu.memory_space<hbm>>
      %dma_start3A_8 = arith.constant 0 : i32
      %dma_start3A_9 = tpu.memref_slice %arg3[%add3A_1, %dma_start3A_8] : memref<4096x2048xf32, #tpu.memory_space<hbm>> -> memref<8x2048xf32, #tpu.memory_space<hbm>>
      tpu.enqueue_dma source(%dma_start3A_9 : memref<8x2048xf32, #tpu.memory_space<hbm>>) target(%arg6 : memref<8x2048xf32, #tpu.memory_space<vmem>>) target_semaphore(%run_scoped3A : memref<!tpu.dma_semaphore, #tpu.memory_space<semaphore_mem>>)
      %dma_wait3A = arith.constant 0 : i32
      %dma_wait3A_10 = tpu.memref_slice %arg3[%add3A_1, %dma_wait3A] : memref<4096x2048xf32, #tpu.memory_space<hbm>> -> memref<8x2048xf32, #tpu.memory_space<hbm>>
      %dma_wait3A_11 = arith.constant 0 : i32
      %dma_wait3A_12 = tpu.memref_slice %arg3[%add3A_1, %dma_wait3A_11] : memref<4096x2048xf32, #tpu.memory_space<hbm>> -> memref<8x2048xf32, #tpu.memory_space<hbm>>
      tpu.wait_dma2 semaphore(%run_scoped3A : memref<!tpu.dma_semaphore, #tpu.memory_space<semaphore_mem>>) src(%dma_wait3A_12 : memref<8x2048xf32, #tpu.memory_space<hbm>>) dst(%arg6 : memref<8x2048xf32, #tpu.memory_space<vmem>>)
      tpu.yield
    }) : () -> ()
    %scan3A = arith.constant 0 : i32
    %scan3A_2 = arith.constant 0 : i32
    %scan3A_3 = arith.constant 16 : i32
    %scan3A_4 = arith.addi %scan3A_2, %scan3A_3 : i32
    %scan3A_5 = arith.constant 1 : i32
    scf.for %scan3A_7 = %scan3A_2 to %scan3A_4 step %scan3A_5  : i32 {
      %mul3A_8 = arith.constant 128 : i32
      %mul3A_9 = arith.muli %scan3A_7, %mul3A_8 : i32
      %add3A_10 = arith.constant 0 : i32
      %add3A_11 = arith.addi %mul3A_9, %add3A_10 : i32
      %get3A = arith.index_cast %add3A_11 : i32 to index
      %get3A_12 = tpu.vector_load %arg5[%get3A] {strides = array<i32>} : memref<2048xf32, #tpu.memory_space<vmem>>, vector<16xf32>,
      %get3A_13 = vector.shape_cast %get3A_12 : vector<16xf32> to vector<16xf32>
      %add3A_14 = arith.constant 16 : i32
      %add3A_15 = arith.addi %mul3A_9, %add3A_14 : i32
      %get3A_16 = arith.index_cast %add3A_15 : i32 to index
      %get3A_17 = tpu.vector_load %arg5[%get3A_16] {strides = array<i32>} : memref<2048xf32, #tpu.memory_space<vmem>>, vector<16xf32>,
      %get3A_18 = vector.shape_cast %get3A_17 : vector<16xf32> to vector<16xf32>
      %add3A_19 = arith.constant 32 : i32
      %add3A_20 = arith.addi %mul3A_9, %add3A_19 : i32
      %get3A_21 = arith.index_cast %add3A_20 : i32 to index
      %get3A_22 = tpu.vector_load %arg5[%get3A_21] {strides = array<i32>} : memref<2048xf32, #tpu.memory_space<vmem>>, vector<16xf32>,
      %get3A_23 = vector.shape_cast %get3A_22 : vector<16xf32> to vector<16xf32>
      %add3A_24 = arith.constant 48 : i32
      %add3A_25 = arith.addi %mul3A_9, %add3A_24 : i32
      %get3A_26 = arith.index_cast %add3A_25 : i32 to index
      %get3A_27 = tpu.vector_load %arg5[%get3A_26] {strides = array<i32>} : memref<2048xf32, #tpu.memory_space<vmem>>, vector<16xf32>,
      %get3A_28 = vector.shape_cast %get3A_27 : vector<16xf32> to vector<16xf32>
      %add3A_29 = arith.constant 64 : i32
      %add3A_30 = arith.addi %mul3A_9, %add3A_29 : i32
      %get3A_31 = arith.index_cast %add3A_30 : i32 to index
      %get3A_32 = tpu.vector_load %arg5[%get3A_31] {strides = array<i32>} : memref<2048xf32, #tpu.memory_space<vmem>>, vector<16xf32>,
      %get3A_33 = vector.shape_cast %get3A_32 : vector<16xf32> to vector<16xf32>
      %add3A_34 = arith.constant 80 : i32
      %add3A_35 = arith.addi %mul3A_9, %add3A_34 : i32
      %get3A_36 = arith.index_cast %add3A_35 : i32 to index
      %get3A_37 = tpu.vector_load %arg5[%get3A_36] {strides = array<i32>} : memref<2048xf32, #tpu.memory_space<vmem>>, vector<16xf32>,
      %get3A_38 = vector.shape_cast %get3A_37 : vector<16xf32> to vector<16xf32>
      %add3A_39 = arith.constant 96 : i32
      %add3A_40 = arith.addi %mul3A_9, %add3A_39 : i32
      %get3A_41 = arith.index_cast %add3A_40 : i32 to index
      %get3A_42 = tpu.vector_load %arg5[%get3A_41] {strides = array<i32>} : memref<2048xf32, #tpu.memory_space<vmem>>, vector<16xf32>,
      %get3A_43 = vector.shape_cast %get3A_42 : vector<16xf32> to vector<16xf32>
      %add3A_44 = arith.constant 112 : i32
      %add3A_45 = arith.addi %mul3A_9, %add3A_44 : i32
      %get3A_46 = arith.index_cast %add3A_45 : i32 to index
      %get3A_47 = tpu.vector_load %arg5[%get3A_46] {strides = array<i32>} : memref<2048xf32, #tpu.memory_space<vmem>>, vector<16xf32>,
      %get3A_48 = vector.shape_cast %get3A_47 : vector<16xf32> to vector<16xf32>
      %add3A_49 = arith.constant 0 : i32
      %add3A_50 = arith.addi %mul3A_9, %add3A_49 : i32
      %swap3A = arith.constant 0 : i32
      %swap3A_51 = arith.index_cast %swap3A : i32 to index
      %swap3A_52 = arith.index_cast %add3A_50 : i32 to index
      %swap3A_53 = tpu.vector_load %arg6[%swap3A_51, %swap3A_52] {strides = array<i32>} : memref<8x2048xf32, #tpu.memory_space<vmem>>, vector<1x16xf32>,
      %swap3A_54 = vector.shape_cast %swap3A_53 : vector<1x16xf32> to vector<16xf32>
      %swap3A_55 = vector.shape_cast %get3A_13 : vector<16xf32> to vector<1x16xf32>
      tpu.vector_store %arg6[%swap3A_51, %swap3A_52], %swap3A_55 {add = true, strides = array<i32>} : memref<8x2048xf32, #tpu.memory_space<vmem>>, vector<1x16xf32>,
      %add3A_56 = arith.constant 16 : i32
      %add3A_57 = arith.addi %mul3A_9, %add3A_56 : i32
      %swap3A_58 = arith.constant 0 : i32
      %swap3A_59 = arith.index_cast %swap3A_58 : i32 to index
      %swap3A_60 = arith.index_cast %add3A_57 : i32 to index
      %swap3A_61 = tpu.vector_load %arg6[%swap3A_59, %swap3A_60] {strides = array<i32>} : memref<8x2048xf32, #tpu.memory_space<vmem>>, vector<1x16xf32>,
      %swap3A_62 = vector.shape_cast %swap3A_61 : vector<1x16xf32> to vector<16xf32>
      %swap3A_63 = vector.shape_cast %get3A_18 : vector<16xf32> to vector<1x16xf32>
      tpu.vector_store %arg6[%swap3A_59, %swap3A_60], %swap3A_63 {add = true, strides = array<i32>} : memref<8x2048xf32, #tpu.memory_space<vmem>>, vector<1x16xf32>,
      %add3A_64 = arith.constant 32 : i32
      %add3A_65 = arith.addi %mul3A_9, %add3A_64 : i32
      %swap3A_66 = arith.constant 0 : i32
      %swap3A_67 = arith.index_cast %swap3A_66 : i32 to index
      %swap3A_68 = arith.index_cast %add3A_65 : i32 to index
      %swap3A_69 = tpu.vector_load %arg6[%swap3A_67, %swap3A_68] {strides = array<i32>} : memref<8x2048xf32, #tpu.memory_space<vmem>>, vector<1x16xf32>,
      %swap3A_70 = vector.shape_cast %swap3A_69 : vector<1x16xf32> to vector<16xf32>
      %swap3A_71 = vector.shape_cast %get3A_23 : vector<16xf32> to vector<1x16xf32>
      tpu.vector_store %arg6[%swap3A_67, %swap3A_68], %swap3A_71 {add = true, strides = array<i32>} : memref<8x2048xf32, #tpu.memory_space<vmem>>, vector<1x16xf32>,
      %add3A_72 = arith.constant 48 : i32
      %add3A_73 = arith.addi %mul3A_9, %add3A_72 : i32
      %swap3A_74 = arith.constant 0 : i32
      %swap3A_75 = arith.index_cast %swap3A_74 : i32 to index
      %swap3A_76 = arith.index_cast %add3A_73 : i32 to index
      %swap3A_77 = tpu.vector_load %arg6[%swap3A_75, %swap3A_76] {strides = array<i32>} : memref<8x2048xf32, #tpu.memory_space<vmem>>, vector<1x16xf32>,
      %swap3A_78 = vector.shape_cast %swap3A_77 : vector<1x16xf32> to vector<16xf32>
      %swap3A_79 = vector.shape_cast %get3A_28 : vector<16xf32> to vector<1x16xf32>
      tpu.vector_store %arg6[%swap3A_75, %swap3A_76], %swap3A_79 {add = true, strides = array<i32>} : memref<8x2048xf32, #tpu.memory_space<vmem>>, vector<1x16xf32>,
      %add3A_80 = arith.constant 64 : i32
      %add3A_81 = arith.addi %mul3A_9, %add3A_80 : i32
      %swap3A_82 = arith.constant 0 : i32
      %swap3A_83 = arith.index_cast %swap3A_82 : i32 to index
      %swap3A_84 = arith.index_cast %add3A_81 : i32 to index
      %swap3A_85 = tpu.vector_load %arg6[%swap3A_83, %swap3A_84] {strides = array<i32>} : memref<8x2048xf32, #tpu.memory_space<vmem>>, vector<1x16xf32>,
      %swap3A_86 = vector.shape_cast %swap3A_85 : vector<1x16xf32> to vector<16xf32>
      %swap3A_87 = vector.shape_cast %get3A_33 : vector<16xf32> to vector<1x16xf32>
      tpu.vector_store %arg6[%swap3A_83, %swap3A_84], %swap3A_87 {add = true, strides = array<i32>} : memref<8x2048xf32, #tpu.memory_space<vmem>>, vector<1x16xf32>,
      %add3A_88 = arith.constant 80 : i32
      %add3A_89 = arith.addi %mul3A_9, %add3A_88 : i32
      %swap3A_90 = arith.constant 0 : i32
      %swap3A_91 = arith.index_cast %swap3A_90 : i32 to index
      %swap3A_92 = arith.index_cast %add3A_89 : i32 to index
      %swap3A_93 = tpu.vector_load %arg6[%swap3A_91, %swap3A_92] {strides = array<i32>} : memref<8x2048xf32, #tpu.memory_space<vmem>>, vector<1x16xf32>,
      %swap3A_94 = vector.shape_cast %swap3A_93 : vector<1x16xf32> to vector<16xf32>
      %swap3A_95 = vector.shape_cast %get3A_38 : vector<16xf32> to vector<1x16xf32>
      tpu.vector_store %arg6[%swap3A_91, %swap3A_92], %swap3A_95 {add = true, strides = array<i32>} : memref<8x2048xf32, #tpu.memory_space<vmem>>, vector<1x16xf32>,
      %add3A_96 = arith.constant 96 : i32
      %add3A_97 = arith.addi %mul3A_9, %add3A_96 : i32
      %swap3A_98 = arith.constant 0 : i32
      %swap3A_99 = arith.index_cast %swap3A_98 : i32 to index
      %swap3A_100 = arith.index_cast %add3A_97 : i32 to index
      %swap3A_101 = tpu.vector_load %arg6[%swap3A_99, %swap3A_100] {strides = array<i32>} : memref<8x2048xf32, #tpu.memory_space<vmem>>, vector<1x16xf32>,
      %swap3A_102 = vector.shape_cast %swap3A_101 : vector<1x16xf32> to vector<16xf32>
      %swap3A_103 = vector.shape_cast %get3A_43 : vector<16xf32> to vector<1x16xf32>
      tpu.vector_store %arg6[%swap3A_99, %swap3A_100], %swap3A_103 {add = true, strides = array<i32>} : memref<8x2048xf32, #tpu.memory_space<vmem>>, vector<1x16xf32>,
      %add3A_104 = arith.constant 112 : i32
      %add3A_105 = arith.addi %mul3A_9, %add3A_104 : i32
      %swap3A_106 = arith.constant 0 : i32
      %swap3A_107 = arith.index_cast %swap3A_106 : i32 to index
      %swap3A_108 = arith.index_cast %add3A_105 : i32 to index
      %swap3A_109 = tpu.vector_load %arg6[%swap3A_107, %swap3A_108] {strides = array<i32>} : memref<8x2048xf32, #tpu.memory_space<vmem>>, vector<1x16xf32>,
      %swap3A_110 = vector.shape_cast %swap3A_109 : vector<1x16xf32> to vector<16xf32>
      %swap3A_111 = vector.shape_cast %get3A_48 : vector<16xf32> to vector<1x16xf32>
      tpu.vector_store %arg6[%swap3A_107, %swap3A_108], %swap3A_111 {add = true, strides = array<i32>} : memref<8x2048xf32, #tpu.memory_space<vmem>>, vector<1x16xf32>,
      %add3A_112 = arith.constant 0 : i32
      %add3A_113 = arith.addi %mul3A_9, %add3A_112 : i32
      %swap3A_114 = arith.constant 1 : i32
      %swap3A_115 = arith.index_cast %swap3A_114 : i32 to index
      %swap3A_116 = arith.index_cast %add3A_113 : i32 to index
      %swap3A_117 = tpu.vector_load %arg6[%swap3A_115, %swap3A_116] {strides = array<i32>} : memref<8x2048xf32, #tpu.memory_space<vmem>>, vector<1x16xf32>,
      %swap3A_118 = vector.shape_cast %swap3A_117 : vector<1x16xf32> to vector<16xf32>
      %swap3A_119 = vector.shape_cast %get3A_13 : vector<16xf32> to vector<1x16xf32>
      tpu.vector_store %arg6[%swap3A_115, %swap3A_116], %swap3A_119 {add = true, strides = array<i32>} : memref<8x2048xf32, #tpu.memory_space<vmem>>, vector<1x16xf32>,
      %add3A_120 = arith.constant 16 : i32
      %add3A_121 = arith.addi %mul3A_9, %add3A_120 : i32
      %swap3A_122 = arith.constant 1 : i32
      %swap3A_123 = arith.index_cast %swap3A_122 : i32 to index
      %swap3A_124 = arith.index_cast %add3A_121 : i32 to index
      %swap3A_125 = tpu.vector_load %arg6[%swap3A_123, %swap3A_124] {strides = array<i32>} : memref<8x2048xf32, #tpu.memory_space<vmem>>, vector<1x16xf32>,
      %swap3A_126 = vector.shape_cast %swap3A_125 : vector<1x16xf32> to vector<16xf32>
      %swap3A_127 = vector.shape_cast %get3A_18 : vector<16xf32> to vector<1x16xf32>
      tpu.vector_store %arg6[%swap3A_123, %swap3A_124], %swap3A_127 {add = true, strides = array<i32>} : memref<8x2048xf32, #tpu.memory_space<vmem>>, vector<1x16xf32>,
      %add3A_128 = arith.constant 32 : i32
      %add3A_129 = arith.addi %mul3A_9, %add3A_128 : i32
      %swap3A_130 = arith.constant 1 : i32
      %swap3A_131 = arith.index_cast %swap3A_130 : i32 to index
      %swap3A_132 = arith.index_cast %add3A_129 : i32 to index
      %swap3A_133 = tpu.vector_load %arg6[%swap3A_131, %swap3A_132] {strides = array<i32>} : memref<8x2048xf32, #tpu.memory_space<vmem>>, vector<1x16xf32>,
      %swap3A_134 = vector.shape_cast %swap3A_133 : vector<1x16xf32> to vector<16xf32>
      %swap3A_135 = vector.shape_cast %get3A_23 : vector<16xf32> to vector<1x16xf32>
      tpu.vector_store %arg6[%swap3A_131, %swap3A_132], %swap3A_135 {add = true, strides = array<i32>} : memref<8x2048xf32, #tpu.memory_space<vmem>>, vector<1x16xf32>,
      %add3A_136 = arith.constant 48 : i32
      %add3A_137 = arith.addi %mul3A_9, %add3A_136 : i32
      %swap3A_138 = arith.constant 1 : i32
      %swap3A_139 = arith.index_cast %swap3A_138 : i32 to index
      %swap3A_140 = arith.index_cast %add3A_137 : i32 to index
      %swap3A_141 = tpu.vector_load %arg6[%swap3A_139, %swap3A_140] {strides = array<i32>} : memref<8x2048xf32, #tpu.memory_space<vmem>>, vector<1x16xf32>,
      %swap3A_142 = vector.shape_cast %swap3A_141 : vector<1x16xf32> to vector<16xf32>
      %swap3A_143 = vector.shape_cast %get3A_28 : vector<16xf32> to vector<1x16xf32>
      tpu.vector_store %arg6[%swap3A_139, %swap3A_140], %swap3A_143 {add = true, strides = array<i32>} : memref<8x2048xf32, #tpu.memory_space<vmem>>, vector<1x16xf32>,
      %add3A_144 = arith.constant 64 : i32
      %add3A_145 = arith.addi %mul3A_9, %add3A_144 : i32
      %swap3A_146 = arith.constant 1 : i32
      %swap3A_147 = arith.index_cast %swap3A_146 : i32 to index
      %swap3A_148 = arith.index_cast %add3A_145 : i32 to index
      %swap3A_149 = tpu.vector_load %arg6[%swap3A_147, %swap3A_148] {strides = array<i32>} : memref<8x2048xf32, #tpu.memory_space<vmem>>, vector<1x16xf32>,
      %swap3A_150 = vector.shape_cast %swap3A_149 : vector<1x16xf32> to vector<16xf32>
      %swap3A_151 = vector.shape_cast %get3A_33 : vector<16xf32> to vector<1x16xf32>
      tpu.vector_store %arg6[%swap3A_147, %swap3A_148], %swap3A_151 {add = true, strides = array<i32>} : memref<8x2048xf32, #tpu.memory_space<vmem>>, vector<1x16xf32>,
      %add3A_152 = arith.constant 80 : i32
      %add3A_153 = arith.addi %mul3A_9, %add3A_152 : i32
      %swap3A_154 = arith.constant 1 : i32
      %swap3A_155 = arith.index_cast %swap3A_154 : i32 to index
      %swap3A_156 = arith.index_cast %add3A_153 : i32 to index
      %swap3A_157 = tpu.vector_load %arg6[%swap3A_155, %swap3A_156] {strides = array<i32>} : memref<8x2048xf32, #tpu.memory_space<vmem>>, vector<1x16xf32>,
      %swap3A_158 = vector.shape_cast %swap3A_157 : vector<1x16xf32> to vector<16xf32>
      %swap3A_159 = vector.shape_cast %get3A_38 : vector<16xf32> to vector<1x16xf32>
      tpu.vector_store %arg6[%swap3A_155, %swap3A_156], %swap3A_159 {add = true, strides = array<i32>} : memref<8x2048xf32, #tpu.memory_space<vmem>>, vector<1x16xf32>,
      %add3A_160 = arith.constant 96 : i32
      %add3A_161 = arith.addi %mul3A_9, %add3A_160 : i32
      %swap3A_162 = arith.constant 1 : i32
      %swap3A_163 = arith.index_cast %swap3A_162 : i32 to index
      %swap3A_164 = arith.index_cast %add3A_161 : i32 to index
      %swap3A_165 = tpu.vector_load %arg6[%swap3A_163, %swap3A_164] {strides = array<i32>} : memref<8x2048xf32, #tpu.memory_space<vmem>>, vector<1x16xf32>,
      %swap3A_166 = vector.shape_cast %swap3A_165 : vector<1x16xf32> to vector<16xf32>
      %swap3A_167 = vector.shape_cast %get3A_43 : vector<16xf32> to vector<1x16xf32>
      tpu.vector_store %arg6[%swap3A_163, %swap3A_164], %swap3A_167 {add = true, strides = array<i32>} : memref<8x2048xf32, #tpu.memory_space<vmem>>, vector<1x16xf32>,
      %add3A_168 = arith.constant 112 : i32
      %add3A_169 = arith.addi %mul3A_9, %add3A_168 : i32
      %swap3A_170 = arith.constant 1 : i32
      %swap3A_171 = arith.index_cast %swap3A_170 : i32 to index
      %swap3A_172 = arith.index_cast %add3A_169 : i32 to index
      %swap3A_173 = tpu.vector_load %arg6[%swap3A_171, %swap3A_172] {strides = array<i32>} : memref<8x2048xf32, #tpu.memory_space<vmem>>, vector<1x16xf32>,
      %swap3A_174 = vector.shape_cast %swap3A_173 : vector<1x16xf32> to vector<16xf32>
      %swap3A_175 = vector.shape_cast %get3A_48 : vector<16xf32> to vector<1x16xf32>
      tpu.vector_store %arg6[%swap3A_171, %swap3A_172], %swap3A_175 {add = true, strides = array<i32>} : memref<8x2048xf32, #tpu.memory_space<vmem>>, vector<1x16xf32>,
      %add3A_176 = arith.constant 0 : i32
      %add3A_177 = arith.addi %mul3A_9, %add3A_176 : i32
      %swap3A_178 = arith.constant 2 : i32
      %swap3A_179 = arith.index_cast %swap3A_178 : i32 to index
      %swap3A_180 = arith.index_cast %add3A_177 : i32 to index
      %swap3A_181 = tpu.vector_load %arg6[%swap3A_179, %swap3A_180] {strides = array<i32>} : memref<8x2048xf32, #tpu.memory_space<vmem>>, vector<1x16xf32>,
      %swap3A_182 = vector.shape_cast %swap3A_181 : vector<1x16xf32> to vector<16xf32>
      %swap3A_183 = vector.shape_cast %get3A_13 : vector<16xf32> to vector<1x16xf32>
      tpu.vector_store %arg6[%swap3A_179, %swap3A_180], %swap3A_183 {add = true, strides = array<i32>} : memref<8x2048xf32, #tpu.memory_space<vmem>>, vector<1x16xf32>,
      %add3A_184 = arith.constant 16 : i32
      %add3A_185 = arith.addi %mul3A_9, %add3A_184 : i32
      %swap3A_186 = arith.constant 2 : i32
      %swap3A_187 = arith.index_cast %swap3A_186 : i32 to index
      %swap3A_188 = arith.index_cast %add3A_185 : i32 to index
      %swap3A_189 = tpu.vector_load %arg6[%swap3A_187, %swap3A_188] {strides = array<i32>} : memref<8x2048xf32, #tpu.memory_space<vmem>>, vector<1x16xf32>,
      %swap3A_190 = vector.shape_cast %swap3A_189 : vector<1x16xf32> to vector<16xf32>
      %swap3A_191 = vector.shape_cast %get3A_18 : vector<16xf32> to vector<1x16xf32>
      tpu.vector_store %arg6[%swap3A_187, %swap3A_188], %swap3A_191 {add = true, strides = array<i32>} : memref<8x2048xf32, #tpu.memory_space<vmem>>, vector<1x16xf32>,
      %add3A_192 = arith.constant 32 : i32
      %add3A_193 = arith.addi %mul3A_9, %add3A_192 : i32
      %swap3A_194 = arith.constant 2 : i32
      %swap3A_195 = arith.index_cast %swap3A_194 : i32 to index
      %swap3A_196 = arith.index_cast %add3A_193 : i32 to index
      %swap3A_197 = tpu.vector_load %arg6[%swap3A_195, %swap3A_196] {strides = array<i32>} : memref<8x2048xf32, #tpu.memory_space<vmem>>, vector<1x16xf32>,
      %swap3A_198 = vector.shape_cast %swap3A_197 : vector<1x16xf32> to vector<16xf32>
      %swap3A_199 = vector.shape_cast %get3A_23 : vector<16xf32> to vector<1x16xf32>
      tpu.vector_store %arg6[%swap3A_195, %swap3A_196], %swap3A_199 {add = true, strides = array<i32>} : memref<8x2048xf32, #tpu.memory_space<vmem>>, vector<1x16xf32>,
      %add3A_200 = arith.constant 48 : i32
      %add3A_201 = arith.addi %mul3A_9, %add3A_200 : i32
      %swap3A_202 = arith.constant 2 : i32
      %swap3A_203 = arith.index_cast %swap3A_202 : i32 to index
      %swap3A_204 = arith.index_cast %add3A_201 : i32 to index
      %swap3A_205 = tpu.vector_load %arg6[%swap3A_203, %swap3A_204] {strides = array<i32>} : memref<8x2048xf32, #tpu.memory_space<vmem>>, vector<1x16xf32>,
      %swap3A_206 = vector.shape_cast %swap3A_205 : vector<1x16xf32> to vector<16xf32>
      %swap3A_207 = vector.shape_cast %get3A_28 : vector<16xf32> to vector<1x16xf32>
      tpu.vector_store %arg6[%swap3A_203, %swap3A_204], %swap3A_207 {add = true, strides = array<i32>} : memref<8x2048xf32, #tpu.memory_space<vmem>>, vector<1x16xf32>,
      %add3A_208 = arith.constant 64 : i32
      %add3A_209 = arith.addi %mul3A_9, %add3A_208 : i32
      %swap3A_210 = arith.constant 2 : i32
      %swap3A_211 = arith.index_cast %swap3A_210 : i32 to index
      %swap3A_212 = arith.index_cast %add3A_209 : i32 to index
      %swap3A_213 = tpu.vector_load %arg6[%swap3A_211, %swap3A_212] {strides = array<i32>} : memref<8x2048xf32, #tpu.memory_space<vmem>>, vector<1x16xf32>,
      %swap3A_214 = vector.shape_cast %swap3A_213 : vector<1x16xf32> to vector<16xf32>
      %swap3A_215 = vector.shape_cast %get3A_33 : vector<16xf32> to vector<1x16xf32>
      tpu.vector_store %arg6[%swap3A_211, %swap3A_212], %swap3A_215 {add = true, strides = array<i32>} : memref<8x2048xf32, #tpu.memory_space<vmem>>, vector<1x16xf32>,
      %add3A_216 = arith.constant 80 : i32
      %add3A_217 = arith.addi %mul3A_9, %add3A_216 : i32
      %swap3A_218 = arith.constant 2 : i32
      %swap3A_219 = arith.index_cast %swap3A_218 : i32 to index
      %swap3A_220 = arith.index_cast %add3A_217 : i32 to index
      %swap3A_221 = tpu.vector_load %arg6[%swap3A_219, %swap3A_220] {strides = array<i32>} : memref<8x2048xf32, #tpu.memory_space<vmem>>, vector<1x16xf32>,
      %swap3A_222 = vector.shape_cast %swap3A_221 : vector<1x16xf32> to vector<16xf32>
      %swap3A_223 = vector.shape_cast %get3A_38 : vector<16xf32> to vector<1x16xf32>
      tpu.vector_store %arg6[%swap3A_219, %swap3A_220], %swap3A_223 {add = true, strides = array<i32>} : memref<8x2048xf32, #tpu.memory_space<vmem>>, vector<1x16xf32>,
      %add3A_224 = arith.constant 96 : i32
      %add3A_225 = arith.addi %mul3A_9, %add3A_224 : i32
      %swap3A_226 = arith.constant 2 : i32
      %swap3A_227 = arith.index_cast %swap3A_226 : i32 to index
      %swap3A_228 = arith.index_cast %add3A_225 : i32 to index
      %swap3A_229 = tpu.vector_load %arg6[%swap3A_227, %swap3A_228] {strides = array<i32>} : memref<8x2048xf32, #tpu.memory_space<vmem>>, vector<1x16xf32>,
      %swap3A_230 = vector.shape_cast %swap3A_229 : vector<1x16xf32> to vector<16xf32>
      %swap3A_231 = vector.shape_cast %get3A_43 : vector<16xf32> to vector<1x16xf32>
      tpu.vector_store %arg6[%swap3A_227, %swap3A_228], %swap3A_231 {add = true, strides = array<i32>} : memref<8x2048xf32, #tpu.memory_space<vmem>>, vector<1x16xf32>,
      %add3A_232 = arith.constant 112 : i32
      %add3A_233 = arith.addi %mul3A_9, %add3A_232 : i32
      %swap3A_234 = arith.constant 2 : i32
      %swap3A_235 = arith.index_cast %swap3A_234 : i32 to index
      %swap3A_236 = arith.index_cast %add3A_233 : i32 to index
      %swap3A_237 = tpu.vector_load %arg6[%swap3A_235, %swap3A_236] {strides = array<i32>} : memref<8x2048xf32, #tpu.memory_space<vmem>>, vector<1x16xf32>,
      %swap3A_238 = vector.shape_cast %swap3A_237 : vector<1x16xf32> to vector<16xf32>
      %swap3A_239 = vector.shape_cast %get3A_48 : vector<16xf32> to vector<1x16xf32>
      tpu.vector_store %arg6[%swap3A_235, %swap3A_236], %swap3A_239 {add = true, strides = array<i32>} : memref<8x2048xf32, #tpu.memory_space<vmem>>, vector<1x16xf32>,
      %add3A_240 = arith.constant 0 : i32
      %add3A_241 = arith.addi %mul3A_9, %add3A_240 : i32
      %swap3A_242 = arith.constant 3 : i32
      %swap3A_243 = arith.index_cast %swap3A_242 : i32 to index
      %swap3A_244 = arith.index_cast %add3A_241 : i32 to index
      %swap3A_245 = tpu.vector_load %arg6[%swap3A_243, %swap3A_244] {strides = array<i32>} : memref<8x2048xf32, #tpu.memory_space<vmem>>, vector<1x16xf32>,
      %swap3A_246 = vector.shape_cast %swap3A_245 : vector<1x16xf32> to vector<16xf32>
      %swap3A_247 = vector.shape_cast %get3A_13 : vector<16xf32> to vector<1x16xf32>
      tpu.vector_store %arg6[%swap3A_243, %swap3A_244], %swap3A_247 {add = true, strides = array<i32>} : memref<8x2048xf32, #tpu.memory_space<vmem>>, vector<1x16xf32>,
      %add3A_248 = arith.constant 16 : i32
      %add3A_249 = arith.addi %mul3A_9, %add3A_248 : i32
      %swap3A_250 = arith.constant 3 : i32
      %swap3A_251 = arith.index_cast %swap3A_250 : i32 to index
      %swap3A_252 = arith.index_cast %add3A_249 : i32 to index
      %swap3A_253 = tpu.vector_load %arg6[%swap3A_251, %swap3A_252] {strides = array<i32>} : memref<8x2048xf32, #tpu.memory_space<vmem>>, vector<1x16xf32>,
      %swap3A_254 = vector.shape_cast %swap3A_253 : vector<1x16xf32> to vector<16xf32>
      %swap3A_255 = vector.shape_cast %get3A_18 : vector<16xf32> to vector<1x16xf32>
      tpu.vector_store %arg6[%swap3A_251, %swap3A_252], %swap3A_255 {add = true, strides = array<i32>} : memref<8x2048xf32, #tpu.memory_space<vmem>>, vector<1x16xf32>,
      %add3A_256 = arith.constant 32 : i32
      %add3A_257 = arith.addi %mul3A_9, %add3A_256 : i32
      %swap3A_258 = arith.constant 3 : i32
      %swap3A_259 = arith.index_cast %swap3A_258 : i32 to index
      %swap3A_260 = arith.index_cast %add3A_257 : i32 to index
      %swap3A_261 = tpu.vector_load %arg6[%swap3A_259, %swap3A_260] {strides = array<i32>} : memref<8x2048xf32, #tpu.memory_space<vmem>>, vector<1x16xf32>,
      %swap3A_262 = vector.shape_cast %swap3A_261 : vector<1x16xf32> to vector<16xf32>
      %swap3A_263 = vector.shape_cast %get3A_23 : vector<16xf32> to vector<1x16xf32>
      tpu.vector_store %arg6[%swap3A_259, %swap3A_260], %swap3A_263 {add = true, strides = array<i32>} : memref<8x2048xf32, #tpu.memory_space<vmem>>, vector<1x16xf32>,
      %add3A_264 = arith.constant 48 : i32
      %add3A_265 = arith.addi %mul3A_9, %add3A_264 : i32
      %swap3A_266 = arith.constant 3 : i32
      %swap3A_267 = arith.index_cast %swap3A_266 : i32 to index
      %swap3A_268 = arith.index_cast %add3A_265 : i32 to index
      %swap3A_269 = tpu.vector_load %arg6[%swap3A_267, %swap3A_268] {strides = array<i32>} : memref<8x2048xf32, #tpu.memory_space<vmem>>, vector<1x16xf32>,
      %swap3A_270 = vector.shape_cast %swap3A_269 : vector<1x16xf32> to vector<16xf32>
      %swap3A_271 = vector.shape_cast %get3A_28 : vector<16xf32> to vector<1x16xf32>
      tpu.vector_store %arg6[%swap3A_267, %swap3A_268], %swap3A_271 {add = true, strides = array<i32>} : memref<8x2048xf32, #tpu.memory_space<vmem>>, vector<1x16xf32>,
      %add3A_272 = arith.constant 64 : i32
      %add3A_273 = arith.addi %mul3A_9, %add3A_272 : i32
      %swap3A_274 = arith.constant 3 : i32
      %swap3A_275 = arith.index_cast %swap3A_274 : i32 to index
      %swap3A_276 = arith.index_cast %add3A_273 : i32 to index
      %swap3A_277 = tpu.vector_load %arg6[%swap3A_275, %swap3A_276] {strides = array<i32>} : memref<8x2048xf32, #tpu.memory_space<vmem>>, vector<1x16xf32>,
      %swap3A_278 = vector.shape_cast %swap3A_277 : vector<1x16xf32> to vector<16xf32>
      %swap3A_279 = vector.shape_cast %get3A_33 : vector<16xf32> to vector<1x16xf32>
      tpu.vector_store %arg6[%swap3A_275, %swap3A_276], %swap3A_279 {add = true, strides = array<i32>} : memref<8x2048xf32, #tpu.memory_space<vmem>>, vector<1x16xf32>,
      %add3A_280 = arith.constant 80 : i32
      %add3A_281 = arith.addi %mul3A_9, %add3A_280 : i32
      %swap3A_282 = arith.constant 3 : i32
      %swap3A_283 = arith.index_cast %swap3A_282 : i32 to index
      %swap3A_284 = arith.index_cast %add3A_281 : i32 to index
      %swap3A_285 = tpu.vector_load %arg6[%swap3A_283, %swap3A_284] {strides = array<i32>} : memref<8x2048xf32, #tpu.memory_space<vmem>>, vector<1x16xf32>,
      %swap3A_286 = vector.shape_cast %swap3A_285 : vector<1x16xf32> to vector<16xf32>
      %swap3A_287 = vector.shape_cast %get3A_38 : vector<16xf32> to vector<1x16xf32>
      tpu.vector_store %arg6[%swap3A_283, %swap3A_284], %swap3A_287 {add = true, strides = array<i32>} : memref<8x2048xf32, #tpu.memory_space<vmem>>, vector<1x16xf32>,
      %add3A_288 = arith.constant 96 : i32
      %add3A_289 = arith.addi %mul3A_9, %add3A_288 : i32
      %swap3A_290 = arith.constant 3 : i32
      %swap3A_291 = arith.index_cast %swap3A_290 : i32 to index
      %swap3A_292 = arith.index_cast %add3A_289 : i32 to index
      %swap3A_293 = tpu.vector_load %arg6[%swap3A_291, %swap3A_292] {strides = array<i32>} : memref<8x2048xf32, #tpu.memory_space<vmem>>, vector<1x16xf32>,
      %swap3A_294 = vector.shape_cast %swap3A_293 : vector<1x16xf32> to vector<16xf32>
      %swap3A_295 = vector.shape_cast %get3A_43 : vector<16xf32> to vector<1x16xf32>
      tpu.vector_store %arg6[%swap3A_291, %swap3A_292], %swap3A_295 {add = true, strides = array<i32>} : memref<8x2048xf32, #tpu.memory_space<vmem>>, vector<1x16xf32>,
      %add3A_296 = arith.constant 112 : i32
      %add3A_297 = arith.addi %mul3A_9, %add3A_296 : i32
      %swap3A_298 = arith.constant 3 : i32
      %swap3A_299 = arith.index_cast %swap3A_298 : i32 to index
      %swap3A_300 = arith.index_cast %add3A_297 : i32 to index
      %swap3A_301 = tpu.vector_load %arg6[%swap3A_299, %swap3A_300] {strides = array<i32>} : memref<8x2048xf32, #tpu.memory_space<vmem>>, vector<1x16xf32>,
      %swap3A_302 = vector.shape_cast %swap3A_301 : vector<1x16xf32> to vector<16xf32>
      %swap3A_303 = vector.shape_cast %get3A_48 : vector<16xf32> to vector<1x16xf32>
      tpu.vector_store %arg6[%swap3A_299, %swap3A_300], %swap3A_303 {add = true, strides = array<i32>} : memref<8x2048xf32, #tpu.memory_space<vmem>>, vector<1x16xf32>,
      %add3A_304 = arith.constant 0 : i32
      %add3A_305 = arith.addi %mul3A_9, %add3A_304 : i32
      %swap3A_306 = arith.constant 4 : i32
      %swap3A_307 = arith.index_cast %swap3A_306 : i32 to index
      %swap3A_308 = arith.index_cast %add3A_305 : i32 to index
      %swap3A_309 = tpu.vector_load %arg6[%swap3A_307, %swap3A_308] {strides = array<i32>} : memref<8x2048xf32, #tpu.memory_space<vmem>>, vector<1x16xf32>,
      %swap3A_310 = vector.shape_cast %swap3A_309 : vector<1x16xf32> to vector<16xf32>
      %swap3A_311 = vector.shape_cast %get3A_13 : vector<16xf32> to vector<1x16xf32>
      tpu.vector_store %arg6[%swap3A_307, %swap3A_308], %swap3A_311 {add = true, strides = array<i32>} : memref<8x2048xf32, #tpu.memory_space<vmem>>, vector<1x16xf32>,
      %add3A_312 = arith.constant 16 : i32
      %add3A_313 = arith.addi %mul3A_9, %add3A_312 : i32
      %swap3A_314 = arith.constant 4 : i32
      %swap3A_315 = arith.index_cast %swap3A_314 : i32 to index
      %swap3A_316 = arith.index_cast %add3A_313 : i32 to index
      %swap3A_317 = tpu.vector_load %arg6[%swap3A_315, %swap3A_316] {strides = array<i32>} : memref<8x2048xf32, #tpu.memory_space<vmem>>, vector<1x16xf32>,
      %swap3A_318 = vector.shape_cast %swap3A_317 : vector<1x16xf32> to vector<16xf32>
      %swap3A_319 = vector.shape_cast %get3A_18 : vector<16xf32> to vector<1x16xf32>
      tpu.vector_store %arg6[%swap3A_315, %swap3A_316], %swap3A_319 {add = true, strides = array<i32>} : memref<8x2048xf32, #tpu.memory_space<vmem>>, vector<1x16xf32>,
      %add3A_320 = arith.constant 32 : i32
      %add3A_321 = arith.addi %mul3A_9, %add3A_320 : i32
      %swap3A_322 = arith.constant 4 : i32
      %swap3A_323 = arith.index_cast %swap3A_322 : i32 to index
      %swap3A_324 = arith.index_cast %add3A_321 : i32 to index
      %swap3A_325 = tpu.vector_load %arg6[%swap3A_323, %swap3A_324] {strides = array<i32>} : memref<8x2048xf32, #tpu.memory_space<vmem>>, vector<1x16xf32>,
      %swap3A_326 = vector.shape_cast %swap3A_325 : vector<1x16xf32> to vector<16xf32>
      %swap3A_327 = vector.shape_cast %get3A_23 : vector<16xf32> to vector<1x16xf32>
      tpu.vector_store %arg6[%swap3A_323, %swap3A_324], %swap3A_327 {add = true, strides = array<i32>} : memref<8x2048xf32, #tpu.memory_space<vmem>>, vector<1x16xf32>,
      %add3A_328 = arith.constant 48 : i32
      %add3A_329 = arith.addi %mul3A_9, %add3A_328 : i32
      %swap3A_330 = arith.constant 4 : i32
      %swap3A_331 = arith.index_cast %swap3A_330 : i32 to index
      %swap3A_332 = arith.index_cast %add3A_329 : i32 to index
      %swap3A_333 = tpu.vector_load %arg6[%swap3A_331, %swap3A_332] {strides = array<i32>} : memref<8x2048xf32, #tpu.memory_space<vmem>>, vector<1x16xf32>,
      %swap3A_334 = vector.shape_cast %swap3A_333 : vector<1x16xf32> to vector<16xf32>
      %swap3A_335 = vector.shape_cast %get3A_28 : vector<16xf32> to vector<1x16xf32>
      tpu.vector_store %arg6[%swap3A_331, %swap3A_332], %swap3A_335 {add = true, strides = array<i32>} : memref<8x2048xf32, #tpu.memory_space<vmem>>, vector<1x16xf32>,
      %add3A_336 = arith.constant 64 : i32
      %add3A_337 = arith.addi %mul3A_9, %add3A_336 : i32
      %swap3A_338 = arith.constant 4 : i32
      %swap3A_339 = arith.index_cast %swap3A_338 : i32 to index
      %swap3A_340 = arith.index_cast %add3A_337 : i32 to index
      %swap3A_341 = tpu.vector_load %arg6[%swap3A_339, %swap3A_340] {strides = array<i32>} : memref<8x2048xf32, #tpu.memory_space<vmem>>, vector<1x16xf32>,
      %swap3A_342 = vector.shape_cast %swap3A_341 : vector<1x16xf32> to vector<16xf32>
      %swap3A_343 = vector.shape_cast %get3A_33 : vector<16xf32> to vector<1x16xf32>
      tpu.vector_store %arg6[%swap3A_339, %swap3A_340], %swap3A_343 {add = true, strides = array<i32>} : memref<8x2048xf32, #tpu.memory_space<vmem>>, vector<1x16xf32>,
      %add3A_344 = arith.constant 80 : i32
      %add3A_345 = arith.addi %mul3A_9, %add3A_344 : i32
      %swap3A_346 = arith.constant 4 : i32
      %swap3A_347 = arith.index_cast %swap3A_346 : i32 to index
      %swap3A_348 = arith.index_cast %add3A_345 : i32 to index
      %swap3A_349 = tpu.vector_load %arg6[%swap3A_347, %swap3A_348] {strides = array<i32>} : memref<8x2048xf32, #tpu.memory_space<vmem>>, vector<1x16xf32>,
      %swap3A_350 = vector.shape_cast %swap3A_349 : vector<1x16xf32> to vector<16xf32>
      %swap3A_351 = vector.shape_cast %get3A_38 : vector<16xf32> to vector<1x16xf32>
      tpu.vector_store %arg6[%swap3A_347, %swap3A_348], %swap3A_351 {add = true, strides = array<i32>} : memref<8x2048xf32, #tpu.memory_space<vmem>>, vector<1x16xf32>,
      %add3A_352 = arith.constant 96 : i32
      %add3A_353 = arith.addi %mul3A_9, %add3A_352 : i32
      %swap3A_354 = arith.constant 4 : i32
      %swap3A_355 = arith.index_cast %swap3A_354 : i32 to index
      %swap3A_356 = arith.index_cast %add3A_353 : i32 to index
      %swap3A_357 = tpu.vector_load %arg6[%swap3A_355, %swap3A_356] {strides = array<i32>} : memref<8x2048xf32, #tpu.memory_space<vmem>>, vector<1x16xf32>,
      %swap3A_358 = vector.shape_cast %swap3A_357 : vector<1x16xf32> to vector<16xf32>
      %swap3A_359 = vector.shape_cast %get3A_43 : vector<16xf32> to vector<1x16xf32>
      tpu.vector_store %arg6[%swap3A_355, %swap3A_356], %swap3A_359 {add = true, strides = array<i32>} : memref<8x2048xf32, #tpu.memory_space<vmem>>, vector<1x16xf32>,
      %add3A_360 = arith.constant 112 : i32
      %add3A_361 = arith.addi %mul3A_9, %add3A_360 : i32
      %swap3A_362 = arith.constant 4 : i32
      %swap3A_363 = arith.index_cast %swap3A_362 : i32 to index
      %swap3A_364 = arith.index_cast %add3A_361 : i32 to index
      %swap3A_365 = tpu.vector_load %arg6[%swap3A_363, %swap3A_364] {strides = array<i32>} : memref<8x2048xf32, #tpu.memory_space<vmem>>, vector<1x16xf32>,
      %swap3A_366 = vector.shape_cast %swap3A_365 : vector<1x16xf32> to vector<16xf32>
      %swap3A_367 = vector.shape_cast %get3A_48 : vector<16xf32> to vector<1x16xf32>
      tpu.vector_store %arg6[%swap3A_363, %swap3A_364], %swap3A_367 {add = true, strides = array<i32>} : memref<8x2048xf32, #tpu.memory_space<vmem>>, vector<1x16xf32>,
      %add3A_368 = arith.constant 0 : i32
      %add3A_369 = arith.addi %mul3A_9, %add3A_368 : i32
      %swap3A_370 = arith.constant 5 : i32
      %swap3A_371 = arith.index_cast %swap3A_370 : i32 to index
      %swap3A_372 = arith.index_cast %add3A_369 : i32 to index
      %swap3A_373 = tpu.vector_load %arg6[%swap3A_371, %swap3A_372] {strides = array<i32>} : memref<8x2048xf32, #tpu.memory_space<vmem>>, vector<1x16xf32>,
      %swap3A_374 = vector.shape_cast %swap3A_373 : vector<1x16xf32> to vector<16xf32>
      %swap3A_375 = vector.shape_cast %get3A_13 : vector<16xf32> to vector<1x16xf32>
      tpu.vector_store %arg6[%swap3A_371, %swap3A_372], %swap3A_375 {add = true, strides = array<i32>} : memref<8x2048xf32, #tpu.memory_space<vmem>>, vector<1x16xf32>,
      %add3A_376 = arith.constant 16 : i32
      %add3A_377 = arith.addi %mul3A_9, %add3A_376 : i32
      %swap3A_378 = arith.constant 5 : i32
      %swap3A_379 = arith.index_cast %swap3A_378 : i32 to index
      %swap3A_380 = arith.index_cast %add3A_377 : i32 to index
      %swap3A_381 = tpu.vector_load %arg6[%swap3A_379, %swap3A_380] {strides = array<i32>} : memref<8x2048xf32, #tpu.memory_space<vmem>>, vector<1x16xf32>,
      %swap3A_382 = vector.shape_cast %swap3A_381 : vector<1x16xf32> to vector<16xf32>
      %swap3A_383 = vector.shape_cast %get3A_18 : vector<16xf32> to vector<1x16xf32>
      tpu.vector_store %arg6[%swap3A_379, %swap3A_380], %swap3A_383 {add = true, strides = array<i32>} : memref<8x2048xf32, #tpu.memory_space<vmem>>, vector<1x16xf32>,
      %add3A_384 = arith.constant 32 : i32
      %add3A_385 = arith.addi %mul3A_9, %add3A_384 : i32
      %swap3A_386 = arith.constant 5 : i32
      %swap3A_387 = arith.index_cast %swap3A_386 : i32 to index
      %swap3A_388 = arith.index_cast %add3A_385 : i32 to index
      %swap3A_389 = tpu.vector_load %arg6[%swap3A_387, %swap3A_388] {strides = array<i32>} : memref<8x2048xf32, #tpu.memory_space<vmem>>, vector<1x16xf32>,
      %swap3A_390 = vector.shape_cast %swap3A_389 : vector<1x16xf32> to vector<16xf32>
      %swap3A_391 = vector.shape_cast %get3A_23 : vector<16xf32> to vector<1x16xf32>
      tpu.vector_store %arg6[%swap3A_387, %swap3A_388], %swap3A_391 {add = true, strides = array<i32>} : memref<8x2048xf32, #tpu.memory_space<vmem>>, vector<1x16xf32>,
      %add3A_392 = arith.constant 48 : i32
      %add3A_393 = arith.addi %mul3A_9, %add3A_392 : i32
      %swap3A_394 = arith.constant 5 : i32
      %swap3A_395 = arith.index_cast %swap3A_394 : i32 to index
      %swap3A_396 = arith.index_cast %add3A_393 : i32 to index
      %swap3A_397 = tpu.vector_load %arg6[%swap3A_395, %swap3A_396] {strides = array<i32>} : memref<8x2048xf32, #tpu.memory_space<vmem>>, vector<1x16xf32>,
      %swap3A_398 = vector.shape_cast %swap3A_397 : vector<1x16xf32> to vector<16xf32>
      %swap3A_399 = vector.shape_cast %get3A_28 : vector<16xf32> to vector<1x16xf32>
      tpu.vector_store %arg6[%swap3A_395, %swap3A_396], %swap3A_399 {add = true, strides = array<i32>} : memref<8x2048xf32, #tpu.memory_space<vmem>>, vector<1x16xf32>,
      %add3A_400 = arith.constant 64 : i32
      %add3A_401 = arith.addi %mul3A_9, %add3A_400 : i32
      %swap3A_402 = arith.constant 5 : i32
      %swap3A_403 = arith.index_cast %swap3A_402 : i32 to index
      %swap3A_404 = arith.index_cast %add3A_401 : i32 to index
      %swap3A_405 = tpu.vector_load %arg6[%swap3A_403, %swap3A_404] {strides = array<i32>} : memref<8x2048xf32, #tpu.memory_space<vmem>>, vector<1x16xf32>,
      %swap3A_406 = vector.shape_cast %swap3A_405 : vector<1x16xf32> to vector<16xf32>
      %swap3A_407 = vector.shape_cast %get3A_33 : vector<16xf32> to vector<1x16xf32>
      tpu.vector_store %arg6[%swap3A_403, %swap3A_404], %swap3A_407 {add = true, strides = array<i32>} : memref<8x2048xf32, #tpu.memory_space<vmem>>, vector<1x16xf32>,
      %add3A_408 = arith.constant 80 : i32
      %add3A_409 = arith.addi %mul3A_9, %add3A_408 : i32
      %swap3A_410 = arith.constant 5 : i32
      %swap3A_411 = arith.index_cast %swap3A_410 : i32 to index
      %swap3A_412 = arith.index_cast %add3A_409 : i32 to index
      %swap3A_413 = tpu.vector_load %arg6[%swap3A_411, %swap3A_412] {strides = array<i32>} : memref<8x2048xf32, #tpu.memory_space<vmem>>, vector<1x16xf32>,
      %swap3A_414 = vector.shape_cast %swap3A_413 : vector<1x16xf32> to vector<16xf32>
      %swap3A_415 = vector.shape_cast %get3A_38 : vector<16xf32> to vector<1x16xf32>
      tpu.vector_store %arg6[%swap3A_411, %swap3A_412], %swap3A_415 {add = true, strides = array<i32>} : memref<8x2048xf32, #tpu.memory_space<vmem>>, vector<1x16xf32>,
      %add3A_416 = arith.constant 96 : i32
      %add3A_417 = arith.addi %mul3A_9, %add3A_416 : i32
      %swap3A_418 = arith.constant 5 : i32
      %swap3A_419 = arith.index_cast %swap3A_418 : i32 to index
      %swap3A_420 = arith.index_cast %add3A_417 : i32 to index
      %swap3A_421 = tpu.vector_load %arg6[%swap3A_419, %swap3A_420] {strides = array<i32>} : memref<8x2048xf32, #tpu.memory_space<vmem>>, vector<1x16xf32>,
      %swap3A_422 = vector.shape_cast %swap3A_421 : vector<1x16xf32> to vector<16xf32>
      %swap3A_423 = vector.shape_cast %get3A_43 : vector<16xf32> to vector<1x16xf32>
      tpu.vector_store %arg6[%swap3A_419, %swap3A_420], %swap3A_423 {add = true, strides = array<i32>} : memref<8x2048xf32, #tpu.memory_space<vmem>>, vector<1x16xf32>,
      %add3A_424 = arith.constant 112 : i32
      %add3A_425 = arith.addi %mul3A_9, %add3A_424 : i32
      %swap3A_426 = arith.constant 5 : i32
      %swap3A_427 = arith.index_cast %swap3A_426 : i32 to index
      %swap3A_428 = arith.index_cast %add3A_425 : i32 to index
      %swap3A_429 = tpu.vector_load %arg6[%swap3A_427, %swap3A_428] {strides = array<i32>} : memref<8x2048xf32, #tpu.memory_space<vmem>>, vector<1x16xf32>,
      %swap3A_430 = vector.shape_cast %swap3A_429 : vector<1x16xf32> to vector<16xf32>
      %swap3A_431 = vector.shape_cast %get3A_48 : vector<16xf32> to vector<1x16xf32>
      tpu.vector_store %arg6[%swap3A_427, %swap3A_428], %swap3A_431 {add = true, strides = array<i32>} : memref<8x2048xf32, #tpu.memory_space<vmem>>, vector<1x16xf32>,
      %add3A_432 = arith.constant 0 : i32
      %add3A_433 = arith.addi %mul3A_9, %add3A_432 : i32
      %swap3A_434 = arith.constant 6 : i32
      %swap3A_435 = arith.index_cast %swap3A_434 : i32 to index
      %swap3A_436 = arith.index_cast %add3A_433 : i32 to index
      %swap3A_437 = tpu.vector_load %arg6[%swap3A_435, %swap3A_436] {strides = array<i32>} : memref<8x2048xf32, #tpu.memory_space<vmem>>, vector<1x16xf32>,
      %swap3A_438 = vector.shape_cast %swap3A_437 : vector<1x16xf32> to vector<16xf32>
      %swap3A_439 = vector.shape_cast %get3A_13 : vector<16xf32> to vector<1x16xf32>
      tpu.vector_store %arg6[%swap3A_435, %swap3A_436], %swap3A_439 {add = true, strides = array<i32>} : memref<8x2048xf32, #tpu.memory_space<vmem>>, vector<1x16xf32>,
      %add3A_440 = arith.constant 16 : i32
      %add3A_441 = arith.addi %mul3A_9, %add3A_440 : i32
      %swap3A_442 = arith.constant 6 : i32
      %swap3A_443 = arith.index_cast %swap3A_442 : i32 to index
      %swap3A_444 = arith.index_cast %add3A_441 : i32 to index
      %swap3A_445 = tpu.vector_load %arg6[%swap3A_443, %swap3A_444] {strides = array<i32>} : memref<8x2048xf32, #tpu.memory_space<vmem>>, vector<1x16xf32>,
      %swap3A_446 = vector.shape_cast %swap3A_445 : vector<1x16xf32> to vector<16xf32>
      %swap3A_447 = vector.shape_cast %get3A_18 : vector<16xf32> to vector<1x16xf32>
      tpu.vector_store %arg6[%swap3A_443, %swap3A_444], %swap3A_447 {add = true, strides = array<i32>} : memref<8x2048xf32, #tpu.memory_space<vmem>>, vector<1x16xf32>,
      %add3A_448 = arith.constant 32 : i32
      %add3A_449 = arith.addi %mul3A_9, %add3A_448 : i32
      %swap3A_450 = arith.constant 6 : i32
      %swap3A_451 = arith.index_cast %swap3A_450 : i32 to index
      %swap3A_452 = arith.index_cast %add3A_449 : i32 to index
      %swap3A_453 = tpu.vector_load %arg6[%swap3A_451, %swap3A_452] {strides = array<i32>} : memref<8x2048xf32, #tpu.memory_space<vmem>>, vector<1x16xf32>,
      %swap3A_454 = vector.shape_cast %swap3A_453 : vector<1x16xf32> to vector<16xf32>
      %swap3A_455 = vector.shape_cast %get3A_23 : vector<16xf32> to vector<1x16xf32>
      tpu.vector_store %arg6[%swap3A_451, %swap3A_452], %swap3A_455 {add = true, strides = array<i32>} : memref<8x2048xf32, #tpu.memory_space<vmem>>, vector<1x16xf32>,
      %add3A_456 = arith.constant 48 : i32
      %add3A_457 = arith.addi %mul3A_9, %add3A_456 : i32
      %swap3A_458 = arith.constant 6 : i32
      %swap3A_459 = arith.index_cast %swap3A_458 : i32 to index
      %swap3A_460 = arith.index_cast %add3A_457 : i32 to index
      %swap3A_461 = tpu.vector_load %arg6[%swap3A_459, %swap3A_460] {strides = array<i32>} : memref<8x2048xf32, #tpu.memory_space<vmem>>, vector<1x16xf32>,
      %swap3A_462 = vector.shape_cast %swap3A_461 : vector<1x16xf32> to vector<16xf32>
      %swap3A_463 = vector.shape_cast %get3A_28 : vector<16xf32> to vector<1x16xf32>
      tpu.vector_store %arg6[%swap3A_459, %swap3A_460], %swap3A_463 {add = true, strides = array<i32>} : memref<8x2048xf32, #tpu.memory_space<vmem>>, vector<1x16xf32>,
      %add3A_464 = arith.constant 64 : i32
      %add3A_465 = arith.addi %mul3A_9, %add3A_464 : i32
      %swap3A_466 = arith.constant 6 : i32
      %swap3A_467 = arith.index_cast %swap3A_466 : i32 to index
      %swap3A_468 = arith.index_cast %add3A_465 : i32 to index
      %swap3A_469 = tpu.vector_load %arg6[%swap3A_467, %swap3A_468] {strides = array<i32>} : memref<8x2048xf32, #tpu.memory_space<vmem>>, vector<1x16xf32>,
      %swap3A_470 = vector.shape_cast %swap3A_469 : vector<1x16xf32> to vector<16xf32>
      %swap3A_471 = vector.shape_cast %get3A_33 : vector<16xf32> to vector<1x16xf32>
      tpu.vector_store %arg6[%swap3A_467, %swap3A_468], %swap3A_471 {add = true, strides = array<i32>} : memref<8x2048xf32, #tpu.memory_space<vmem>>, vector<1x16xf32>,
      %add3A_472 = arith.constant 80 : i32
      %add3A_473 = arith.addi %mul3A_9, %add3A_472 : i32
      %swap3A_474 = arith.constant 6 : i32
      %swap3A_475 = arith.index_cast %swap3A_474 : i32 to index
      %swap3A_476 = arith.index_cast %add3A_473 : i32 to index
      %swap3A_477 = tpu.vector_load %arg6[%swap3A_475, %swap3A_476] {strides = array<i32>} : memref<8x2048xf32, #tpu.memory_space<vmem>>, vector<1x16xf32>,
      %swap3A_478 = vector.shape_cast %swap3A_477 : vector<1x16xf32> to vector<16xf32>
      %swap3A_479 = vector.shape_cast %get3A_38 : vector<16xf32> to vector<1x16xf32>
      tpu.vector_store %arg6[%swap3A_475, %swap3A_476], %swap3A_479 {add = true, strides = array<i32>} : memref<8x2048xf32, #tpu.memory_space<vmem>>, vector<1x16xf32>,
      %add3A_480 = arith.constant 96 : i32
      %add3A_481 = arith.addi %mul3A_9, %add3A_480 : i32
      %swap3A_482 = arith.constant 6 : i32
      %swap3A_483 = arith.index_cast %swap3A_482 : i32 to index
      %swap3A_484 = arith.index_cast %add3A_481 : i32 to index
      %swap3A_485 = tpu.vector_load %arg6[%swap3A_483, %swap3A_484] {strides = array<i32>} : memref<8x2048xf32, #tpu.memory_space<vmem>>, vector<1x16xf32>,
      %swap3A_486 = vector.shape_cast %swap3A_485 : vector<1x16xf32> to vector<16xf32>
      %swap3A_487 = vector.shape_cast %get3A_43 : vector<16xf32> to vector<1x16xf32>
      tpu.vector_store %arg6[%swap3A_483, %swap3A_484], %swap3A_487 {add = true, strides = array<i32>} : memref<8x2048xf32, #tpu.memory_space<vmem>>, vector<1x16xf32>,
      %add3A_488 = arith.constant 112 : i32
      %add3A_489 = arith.addi %mul3A_9, %add3A_488 : i32
      %swap3A_490 = arith.constant 6 : i32
      %swap3A_491 = arith.index_cast %swap3A_490 : i32 to index
      %swap3A_492 = arith.index_cast %add3A_489 : i32 to index
      %swap3A_493 = tpu.vector_load %arg6[%swap3A_491, %swap3A_492] {strides = array<i32>} : memref<8x2048xf32, #tpu.memory_space<vmem>>, vector<1x16xf32>,
      %swap3A_494 = vector.shape_cast %swap3A_493 : vector<1x16xf32> to vector<16xf32>
      %swap3A_495 = vector.shape_cast %get3A_48 : vector<16xf32> to vector<1x16xf32>
      tpu.vector_store %arg6[%swap3A_491, %swap3A_492], %swap3A_495 {add = true, strides = array<i32>} : memref<8x2048xf32, #tpu.memory_space<vmem>>, vector<1x16xf32>,
      %add3A_496 = arith.constant 0 : i32
      %add3A_497 = arith.addi %mul3A_9, %add3A_496 : i32
      %swap3A_498 = arith.constant 7 : i32
      %swap3A_499 = arith.index_cast %swap3A_498 : i32 to index
      %swap3A_500 = arith.index_cast %add3A_497 : i32 to index
      %swap3A_501 = tpu.vector_load %arg6[%swap3A_499, %swap3A_500] {strides = array<i32>} : memref<8x2048xf32, #tpu.memory_space<vmem>>, vector<1x16xf32>,
      %swap3A_502 = vector.shape_cast %swap3A_501 : vector<1x16xf32> to vector<16xf32>
      %swap3A_503 = vector.shape_cast %get3A_13 : vector<16xf32> to vector<1x16xf32>
      tpu.vector_store %arg6[%swap3A_499, %swap3A_500], %swap3A_503 {add = true, strides = array<i32>} : memref<8x2048xf32, #tpu.memory_space<vmem>>, vector<1x16xf32>,
      %add3A_504 = arith.constant 16 : i32
      %add3A_505 = arith.addi %mul3A_9, %add3A_504 : i32
      %swap3A_506 = arith.constant 7 : i32
      %swap3A_507 = arith.index_cast %swap3A_506 : i32 to index
      %swap3A_508 = arith.index_cast %add3A_505 : i32 to index
      %swap3A_509 = tpu.vector_load %arg6[%swap3A_507, %swap3A_508] {strides = array<i32>} : memref<8x2048xf32, #tpu.memory_space<vmem>>, vector<1x16xf32>,
      %swap3A_510 = vector.shape_cast %swap3A_509 : vector<1x16xf32> to vector<16xf32>
      %swap3A_511 = vector.shape_cast %get3A_18 : vector<16xf32> to vector<1x16xf32>
      tpu.vector_store %arg6[%swap3A_507, %swap3A_508], %swap3A_511 {add = true, strides = array<i32>} : memref<8x2048xf32, #tpu.memory_space<vmem>>, vector<1x16xf32>,
      %add3A_512 = arith.constant 32 : i32
      %add3A_513 = arith.addi %mul3A_9, %add3A_512 : i32
      %swap3A_514 = arith.constant 7 : i32
      %swap3A_515 = arith.index_cast %swap3A_514 : i32 to index
      %swap3A_516 = arith.index_cast %add3A_513 : i32 to index
      %swap3A_517 = tpu.vector_load %arg6[%swap3A_515, %swap3A_516] {strides = array<i32>} : memref<8x2048xf32, #tpu.memory_space<vmem>>, vector<1x16xf32>,
      %swap3A_518 = vector.shape_cast %swap3A_517 : vector<1x16xf32> to vector<16xf32>
      %swap3A_519 = vector.shape_cast %get3A_23 : vector<16xf32> to vector<1x16xf32>
      tpu.vector_store %arg6[%swap3A_515, %swap3A_516], %swap3A_519 {add = true, strides = array<i32>} : memref<8x2048xf32, #tpu.memory_space<vmem>>, vector<1x16xf32>,
      %add3A_520 = arith.constant 48 : i32
      %add3A_521 = arith.addi %mul3A_9, %add3A_520 : i32
      %swap3A_522 = arith.constant 7 : i32
      %swap3A_523 = arith.index_cast %swap3A_522 : i32 to index
      %swap3A_524 = arith.index_cast %add3A_521 : i32 to index
      %swap3A_525 = tpu.vector_load %arg6[%swap3A_523, %swap3A_524] {strides = array<i32>} : memref<8x2048xf32, #tpu.memory_space<vmem>>, vector<1x16xf32>,
      %swap3A_526 = vector.shape_cast %swap3A_525 : vector<1x16xf32> to vector<16xf32>
      %swap3A_527 = vector.shape_cast %get3A_28 : vector<16xf32> to vector<1x16xf32>
      tpu.vector_store %arg6[%swap3A_523, %swap3A_524], %swap3A_527 {add = true, strides = array<i32>} : memref<8x2048xf32, #tpu.memory_space<vmem>>, vector<1x16xf32>,
      %add3A_528 = arith.constant 64 : i32
      %add3A_529 = arith.addi %mul3A_9, %add3A_528 : i32
      %swap3A_530 = arith.constant 7 : i32
      %swap3A_531 = arith.index_cast %swap3A_530 : i32 to index
      %swap3A_532 = arith.index_cast %add3A_529 : i32 to index
      %swap3A_533 = tpu.vector_load %arg6[%swap3A_531, %swap3A_532] {strides = array<i32>} : memref<8x2048xf32, #tpu.memory_space<vmem>>, vector<1x16xf32>,
      %swap3A_534 = vector.shape_cast %swap3A_533 : vector<1x16xf32> to vector<16xf32>
      %swap3A_535 = vector.shape_cast %get3A_33 : vector<16xf32> to vector<1x16xf32>
      tpu.vector_store %arg6[%swap3A_531, %swap3A_532], %swap3A_535 {add = true, strides = array<i32>} : memref<8x2048xf32, #tpu.memory_space<vmem>>, vector<1x16xf32>,
      %add3A_536 = arith.constant 80 : i32
      %add3A_537 = arith.addi %mul3A_9, %add3A_536 : i32
      %swap3A_538 = arith.constant 7 : i32
      %swap3A_539 = arith.index_cast %swap3A_538 : i32 to index
      %swap3A_540 = arith.index_cast %add3A_537 : i32 to index
      %swap3A_541 = tpu.vector_load %arg6[%swap3A_539, %swap3A_540] {strides = array<i32>} : memref<8x2048xf32, #tpu.memory_space<vmem>>, vector<1x16xf32>,
      %swap3A_542 = vector.shape_cast %swap3A_541 : vector<1x16xf32> to vector<16xf32>
      %swap3A_543 = vector.shape_cast %get3A_38 : vector<16xf32> to vector<1x16xf32>
      tpu.vector_store %arg6[%swap3A_539, %swap3A_540], %swap3A_543 {add = true, strides = array<i32>} : memref<8x2048xf32, #tpu.memory_space<vmem>>, vector<1x16xf32>,
      %add3A_544 = arith.constant 96 : i32
      %add3A_545 = arith.addi %mul3A_9, %add3A_544 : i32
      %swap3A_546 = arith.constant 7 : i32
      %swap3A_547 = arith.index_cast %swap3A_546 : i32 to index
      %swap3A_548 = arith.index_cast %add3A_545 : i32 to index
      %swap3A_549 = tpu.vector_load %arg6[%swap3A_547, %swap3A_548] {strides = array<i32>} : memref<8x2048xf32, #tpu.memory_space<vmem>>, vector<1x16xf32>,
      %swap3A_550 = vector.shape_cast %swap3A_549 : vector<1x16xf32> to vector<16xf32>
      %swap3A_551 = vector.shape_cast %get3A_43 : vector<16xf32> to vector<1x16xf32>
      tpu.vector_store %arg6[%swap3A_547, %swap3A_548], %swap3A_551 {add = true, strides = array<i32>} : memref<8x2048xf32, #tpu.memory_space<vmem>>, vector<1x16xf32>,
      %add3A_552 = arith.constant 112 : i32
      %add3A_553 = arith.addi %mul3A_9, %add3A_552 : i32
      %swap3A_554 = arith.constant 7 : i32
      %swap3A_555 = arith.index_cast %swap3A_554 : i32 to index
      %swap3A_556 = arith.index_cast %add3A_553 : i32 to index
      %swap3A_557 = tpu.vector_load %arg6[%swap3A_555, %swap3A_556] {strides = array<i32>} : memref<8x2048xf32, #tpu.memory_space<vmem>>, vector<1x16xf32>,
      %swap3A_558 = vector.shape_cast %swap3A_557 : vector<1x16xf32> to vector<16xf32>
      %swap3A_559 = vector.shape_cast %get3A_48 : vector<16xf32> to vector<1x16xf32>
      tpu.vector_store %arg6[%swap3A_555, %swap3A_556], %swap3A_559 {add = true, strides = array<i32>} : memref<8x2048xf32, #tpu.memory_space<vmem>>, vector<1x16xf32>,
    }
    %scan3A_6 = arith.constant 16 : i32
    "tpu.region"() ({
      %run_scoped3A = tpu.sem_alloc : memref<!tpu.dma_semaphore, #tpu.memory_space<semaphore_mem>>
      %dma_start3A = arith.constant 0 : i32
      %dma_start3A_7 = tpu.memref_slice %arg4[%mul3A_0, %dma_start3A] : memref<128x2048xf32, #tpu.memory_space<hbm>> -> memref<8x2048xf32, #tpu.memory_space<hbm>>
      %dma_start3A_8 = arith.constant 0 : i32
      %dma_start3A_9 = tpu.memref_slice %arg4[%mul3A_0, %dma_start3A_8] : memref<128x2048xf32, #tpu.memory_space<hbm>> -> memref<8x2048xf32, #tpu.memory_space<hbm>>
      tpu.enqueue_dma source(%arg6 : memref<8x2048xf32, #tpu.memory_space<vmem>>) target(%dma_start3A_9 : memref<8x2048xf32, #tpu.memory_space<hbm>>) target_semaphore(%run_scoped3A : memref<!tpu.dma_semaphore, #tpu.memory_space<semaphore_mem>>)
      %dma_wait3A = arith.constant 0 : i32
      %dma_wait3A_10 = tpu.memref_slice %arg4[%mul3A_0, %dma_wait3A] : memref<128x2048xf32, #tpu.memory_space<hbm>> -> memref<8x2048xf32, #tpu.memory_space<hbm>>
      %dma_wait3A_11 = arith.constant 0 : i32
      %dma_wait3A_12 = tpu.memref_slice %arg4[%mul3A_0, %dma_wait3A_11] : memref<128x2048xf32, #tpu.memory_space<hbm>> -> memref<8x2048xf32, #tpu.memory_space<hbm>>
      tpu.wait_dma2 semaphore(%run_scoped3A : memref<!tpu.dma_semaphore, #tpu.memory_space<semaphore_mem>>) src(%arg6 : memref<8x2048xf32, #tpu.memory_space<vmem>>) dst(%dma_wait3A_12 : memref<8x2048xf32, #tpu.memory_space<hbm>>)
      tpu.yield
    }) : () -> ()
    return
  }
}

module attributes {stable_mosaic.version = 14 : i64} {
  func.func @_tc_body(%arg0: i32, %arg1: memref<1x2048xf32, #tpu.memory_space<vmem>>, %arg2: memref<640x2048xf32, #tpu.memory_space<vmem>>, %arg3: memref<640x2048xf32, #tpu.memory_space<vmem>>) attributes {dimension_semantics = [#tpu.dimension_semantics<arbitrary>], iteration_bounds = array<i64: 3>, scalar_prefetch = 0 : i64, scratch_operands = 0 : i64, tpu.core_type = #tpu.core_type<tc>, window_params = [{pipeline_mode = #tpu.pipeline_mode<synchronous>, transform_indices = @transform_0, window_bounds = array<i64: 1, 2048>}, {transform_indices = @transform_1, window_bounds = array<i64: 640, 2048>}, {transform_indices = @transform_2, window_bounds = array<i64: 640, 2048>}]} {
    %get3A = arith.constant 0 : index
    %get3A_0 = arith.constant 0 : index
    %get3A_1 = vector.load %arg2[%get3A, %get3A_0] : memref<640x2048xf32, #tpu.memory_space<vmem>>, vector<640x2048xf32>
    %get3A_2 = arith.constant 0 : index
    %get3A_3 = arith.constant 0 : index
    %get3A_4 = vector.load %arg1[%get3A_2, %get3A_3] : memref<1x2048xf32, #tpu.memory_space<vmem>>, vector<1x2048xf32>
    %add3A = vector.broadcast %get3A_4 : vector<1x2048xf32> to vector<640x2048xf32>
    %add3A_5 = arith.addf %get3A_1, %add3A : vector<640x2048xf32>
    %swap3A = arith.constant 0 : index
    %swap3A_6 = arith.constant 0 : index
    %swap3A_7 = vector.load %arg3[%swap3A, %swap3A_6] : memref<640x2048xf32, #tpu.memory_space<vmem>>, vector<640x2048xf32>
    tpu.vector_store %arg3[%swap3A, %swap3A_6], %add3A_5 {strides = array<i32>} : memref<640x2048xf32, #tpu.memory_space<vmem>>, vector<640x2048xf32>,
    return
  }
  func.func @transform_0(%arg0: i32) -> (i32, i32) {
    %c0_i32 = arith.constant 0 : i32
    %c0_i32_0 = arith.constant 0 : i32
    %c0_i32_1 = arith.constant 0 : i32
    return %c0_i32, %c0_i32_0 : i32, i32
  }
  func.func @transform_1(%arg0: i32) -> (i32, i32) {
    %c0_i32 = arith.constant 0 : i32
    %c0_i32_0 = arith.constant 0 : i32
    return %arg0, %c0_i32 : i32, i32
  }
  func.func @transform_2(%arg0: i32) -> (i32, i32) {
    %c0_i32 = arith.constant 0 : i32
    %c0_i32_0 = arith.constant 0 : i32
    return %arg0, %c0_i32 : i32, i32
  }
}

</mosaic_0001>

<sc_bundles>
// kernel: kernel.4.cloned.1.call-start
scs
__scs_entry_jumppad:
0x0: {  	(pc) =	sbr.rel $0x88, $3  }
0x1: {  	(tag) =	ssettag $0x0;
	lr =	simm.s32 $0x1  }
0x2: {  	[smem:$0x3F9F] =	sst lr;
	_ =	strace $0xD0000000  }
0x3: {  	_ = 	snop  }
0x4: {  	_ = 	snop  }
0x5: {  	_ = 	snop  }
0x6: {  	_ = 	snop  }
0x7: {  	_ = 	snop  }
__scs_overlays_trampoline_lowered:
0x8: {  	[smem:$0x3FAE] =	sst s0  }
0x9: {  	[smem:$0x3FAF] =	sst s1  }
0xa: {  	[smem:$0x3FB0] =	sst s2  }
0xb: {  	[smem:$0x3FB1] =	sst s3  }
0xc: {  	[smem:$0x3FB2] =	sst s4  }
0xd: {  	[smem:$0x3FB3] =	sst s5  }
0xe: {  	[smem:$0x3FB4] =	sst s6  }
0xf: {  	[smem:$0x3FB5] =	sst s7  }
0x10: {  	[smem:$0x3FB6] =	sst s8  }
0x11: {  	[smem:$0x3FB7] =	sst s9;
	s0 =	simm.s32 @!p0 $0x0  }
0x12: {  	s1 =	sld [smem:$0x3F9D];
	s0 =	simm.s32 @p0 $0x1  }
0x13: {  	[smem:$0x3FB8] =	sst s0;
	s0 =	simm.s32 @!p1 $0x0  }
0x14: {  	s2 =	sld [smem:$0x3F9C];
	s0 =	simm.s32 @p1 $0x1  }
0x15: {  	[smem:$0x3FB9] =	sst s0;
	s0 =	simm.s32 @!p2 $0x0  }
0x16: {  	s3 =	sld [smem:$0x3FDB];
	s0 =	simm.s32 @p2 $0x1  }
0x17: {  	s4 =	simm.s32 $0x1BF5;
	[smem:$0x3FBB] =	sst s0  }
0x18: {  	s0 =	sld [smem:$0x3F9E];
	_ =	swait.ge [sflag:s4], $0x0  }
0x19: {  	s7 =	sld [smem:$0x3F9F]  }
0x1a: {  	s8 =	sadd.s32 $0xFFFFE003, lr  }
0x1b: {  	s9 =	sadd.s32 $0xFFFFFEF7, lr;
	s5 =	simm.s32 $0xFFFFFFFF;
	p2 =	slt.u32 s8, $0xFFFFF086  }
0x1c: {  	p1 =	slt.u32 s9, $0xF7A;
	s5 =	simm.s32 @!p2 $0x0  }
0x1d: {  	s5 =	simm.s32 @p1 $0x1;
	p0 =	seq.s32 s7, s2  }
0x1e: {  	s7 =	smul.u32 @!p0 $0xF7A, s2;
	p2 =	seq.s32 @!p0 s5, $0x0  }
0x1f: {  	s9 =	smul.u32 $0xF7A, s1;
	s8 =	simm.s32 @!p0 $0x1BF5;
	p2 =	por !p2, p0  }
0x20: {  	[sflag:s8] =	ssyncset.s32 @!p0 $0xFFFFF086;
	s6 =	sadd.s32 @!p0 s3, s7;
	s7 =	simm.s32 @!p0 $0x108  }
0x21: {  	s3 =	sadd.s32 s3, s9;
	s6 =	sadd.s32 @!p0 $0x88, s6;
	s7 =	simm.s32 @p2 $0x1082  }
0x22: {  	[simem:s7], [sflag:s8] =	dma.local @!p0 [hbm:s6], $0xF7A  }
0x23: {  	s9 =	sor.u32 $0xD0000000, s2;
	s6 =	simm.s32 $0x108;
	_ =	swait.ge @!p0 [sflag:s8], $0x0  }
0x24: {  	s3 =	sadd.s32 $0x88, s3;
	s6 =	simm.s32 @!p1 $0x1082;
	[sflag:s4] =	ssyncset.s32 $0xFFFFF086  }
0x25: {  	[simem:s6], [sflag:s4] =	dma.local [hbm:s3], $0xF7A  }
0x26: {  	[smem:$0x3F9F] =	sst s1;
	(tag) =	ssettag s2;
	_ =	strace s9  }
0x27: {  	s1 =	sld [smem:$0x3FAF]  }
0x28: {  	s2 =	sld [smem:$0x3FB0]  }
0x29: {  	s4 =	sld [smem:$0x3FB2]  }
0x2a: {  	p0 =	seq.s32 s5, $0x0;
	s5 =	sld [smem:$0x3FB3]  }
0x2b: {  	s6 =	sld [smem:$0x3FB4]  }
0x2c: {  	s7 =	sld [smem:$0x3FB5]  }
0x2d: {  	s3 =	simm.s32 $0x108;
	s8 =	sld [smem:$0x3FB6]  }
0x2e: {  	s3 =	simm.s32 @!p0 $0x1082;
	s9 =	sld [smem:$0x3FB7]  }
0x2f: {  	lr =	sadd.s32 s0, s3;
	s0 =	sld [smem:$0x3FAE]  }
0x30: {  	s3 =	sld [smem:$0x3FB1]  }
0x31: {  	[smem:$0x3FBA] =	sst s10  }
0x32: {  	s10 =	sld [smem:$0x3FB8];
	_ =	sdelay $0x3  }
0x33: {  	p0 =	seq.s32 s10, $0x1;
	s10 =	sld [smem:$0x3FBA];
	_ =	sdelay $0x3  }
0x34: {  	[smem:$0x3FBA] =	sst s10  }
0x35: {  	s10 =	sld [smem:$0x3FB9];
	_ =	sdelay $0x3  }
0x36: {  	p1 =	seq.s32 s10, $0x1;
	s10 =	sld [smem:$0x3FBA];
	_ =	sdelay $0x3  }
0x37: {  	[smem:$0x3FBA] =	sst s10  }
0x38: {  	s10 =	sld [smem:$0x3FBB]  }
0x39: {  	_ = 	snop;
	(pc) =	sbr.ind lr, $3  }
0x3a: {  	_ = 	snop  }
0x3b: {  	_ = 	snop  }
0x3c: {  	p2 =	seq.s32 s10, $0x1;
	s10 =	sld [smem:$0x3FBA]  }
0x3d: {  	_ =	shalt  }
0x3e: {  	_ =	shalt  }
0x3f: {  	_ =	shalt  }
0x40: {  	_ =	shalt  }
0x41: {  	_ =	shalt  }
0x42: {  	_ =	shalt  }
0x43: {  	_ =	shalt  }
0x44: {  	_ =	shalt  }
0x45: {  	_ =	shalt  }
0x46: {  	_ =	shalt  }
0x47: {  	_ =	shalt  }
0x48: {  	_ =	shalt  }
0x49: {  	_ =	shalt  }
0x4a: {  	_ =	shalt  }
0x4b: {  	_ =	shalt  }
0x4c: {  	_ =	shalt  }
0x4d: {  	_ =	shalt  }
0x4e: {  	_ =	shalt  }
0x4f: {  	_ =	shalt  }
0x50: {  	_ =	shalt  }
0x51: {  	_ =	shalt  }
0x52: {  	_ =	shalt  }
0x53: {  	_ =	shalt  }
0x54: {  	_ =	shalt  }
0x55: {  	_ =	shalt  }
0x56: {  	_ =	shalt  }
0x57: {  	_ =	shalt  }
0x58: {  	_ =	shalt  }
0x59: {  	_ =	shalt  }
0x5a: {  	_ =	shalt  }
0x5b: {  	_ =	shalt  }
0x5c: {  	_ =	shalt  }
0x5d: {  	_ =	shalt  }
0x5e: {  	_ =	shalt  }
0x5f: {  	_ =	shalt  }
0x60: {  	_ =	shalt  }
0x61: {  	_ =	shalt  }
0x62: {  	_ =	shalt  }
0x63: {  	_ =	shalt  }
0x64: {  	_ =	shalt  }
0x65: {  	_ =	shalt  }
0x66: {  	_ =	shalt  }
0x67: {  	_ =	shalt  }
0x68: {  	_ =	shalt  }
0x69: {  	_ =	shalt  }
0x6a: {  	_ =	shalt  }
0x6b: {  	_ =	shalt  }
0x6c: {  	_ =	shalt  }
0x6d: {  	_ =	shalt  }
0x6e: {  	_ =	shalt  }
0x6f: {  	_ =	shalt  }
0x70: {  	_ =	shalt  }
0x71: {  	_ =	shalt  }
0x72: {  	_ =	shalt  }
0x73: {  	_ =	shalt  }
0x74: {  	_ =	shalt  }
0x75: {  	_ =	shalt  }
0x76: {  	_ =	shalt  }
0x77: {  	_ =	shalt  }
0x78: {  	_ =	shalt  }
0x79: {  	_ =	shalt  }
0x7a: {  	_ =	shalt  }
0x7b: {  	_ =	shalt  }
0x7c: {  	_ =	shalt  }
0x7d: {  	_ =	shalt  }
0x7e: {  	_ =	shalt  }
0x7f: {  	_ =	shalt  }
0x80: {  	_ =	shalt  }
0x81: {  	_ =	shalt  }
0x82: {  	_ =	shalt  }
0x83: {  	_ =	shalt  }
0x84: {  	_ =	shalt  }
0x85: {  	_ =	shalt  }
0x86: {  	_ =	shalt  }
0x87: {  	_ =	shalt  }
.Lfunc_end0:
.L_simem_size_0:
called_computation_lowered:
.L_overlay_start_0:
0x88: {  	s0 =	sld [smem:$0x3FD9]  }
0x89: {  	s1 =	sld [smem:$0x3FFE];
	_ =	sdelay $0x3  }
0x8a: {  	s0 =	sadd.s32 s1, s0  }
0x8b: {  	[smem:$0x3FC6] =	sst s0  }
0x8c: {  	_ = 	snop  }
0x8d: {  	s0 =	sld [smem:$0x3FC9]  }
0x8e: {  	s16 =	sld [smem:$0x3FC8];
	(tm) =	ssettm $0x1  }
0x8f: {  	s2 =	sld [smem:$0x3FFB];
	_ =	sdelay $0x3  }
0x90: {  	_ =	strace s2  }
0x91: {  	s2 =	sld [smem:$0x3FFC];
	_ =	sdelay $0x3  }
0x92: {  	_ =	strace s2  }
0x93: {  	s2 =	sld [smem:$0x3FFD];
	_ =	sdelay $0x3  }
0x94: {  	_ =	strace s2  }
0x95: {  	_ =	strace $0x8FFFFFFF  }
0x96: {  	s17 =	sld [smem:$0x3FDB];
	_ =	sdelay $0x1  }
0x97: {  	s3 =	simm.s32 $_scs_section_size  }
0x98: {  	s4 =	simm.s32 $_size__tile_overlayer_lowered;
	s5 =	simm.s32 $_tile_overlayer_lowered  }
0x99: {  	s20 =	simm.s32 $0x1BFF;
	s19 =	sshll.u32 s5, $0x1;
	s2 =	sadd.s32 s3, s17  }
0x9a: {  	s6 =	simm.s32 $0x0;
	s18 =	sshll.u32 s4, $0x1;
	s4 =	sadd.s32 s19, s2  }
0x9b: {  	[timem:s6], [sflag:s20] =	dma.local [hbm:s4], s18  }
0x9c: {  	_ =	swait.ge [sflag:s20], s18  }
0x9d: {  	s3 =	ssub.s32 $0x0, s18;
	[sflag:s20] =	ssyncset.done $0x0  }
0x9e: {  	[sflag:s20] =	ssyncadd.s32 s3;
	_ =	sdelay $0x1  }
0x9f: {  	s21 =	simm.s32 $0x1B8B  }
0xa0: {  	_ =	swait.ge [sflag:s21], $0x1  }
0xa1: {  	[sflag:s21] =	ssyncset.done $0x0  }
0xa2: {  	s23 =	simm.s32 $0x1B8E;
	s22 =	sld [smem:$0x3FFE];
	[sflag:s21] =	ssyncadd.s32 $0xFFFFFFFF  }
0xa3: {  	s24 =	simm.s32 $execute0_lowered;
	[smem:$0x3FD2] =	sst s23  }
0xa4: {  	s4 =	sshll.u32 s24, $0x1;
	_ =	strace $0x80000046;
	[dreg:$0x1] =	wrdreg $0xFFFFFFFF  }
0xa5: {  	s25 =	simm.s32 $_size_execute0_lowered;
	s2 =	sadd.s32 s2, s4;
	[dreg:$0x0] =	wrdreg $0x0  }
0xa6: {  	s4 =	sshll.u32 s25, $0x1;
	[dreg:$0x2] =	wrdreg s2  }
0xa7: {  	[dreg:$0x3] =	wrdreg s4  }
0xa8: {  	[dreg:$0x4] =	wrdreg $0xC0  }
0xa9: {  	_ =	task [dreg:s6], $0x5FFFF  }
0xaa: {  	[dreg:$0x1] =	wrdreg $0xFFFFFFFF  }
0xab: {  	[dreg:$0x0] =	wrdreg $0x60  }
0xac: {  	[dreg:$0x2] =	wrdreg s0  }
0xad: {  	[dreg:$0x3] =	wrdreg s16  }
0xae: {  	[dreg:$0x4] =	wrdreg s22  }
0xaf: {  	[dreg:$0x5] =	wrdreg $0x9  }
0xb0: {  	_ =	task.clear_ibuf [dreg:s6], $0x6FFFF;
	_ =	strace $0x90000046  }
0xb1: {  	s26 =	simm.s32 $0x9;
	_ =	strace $0x80000048  }
0xb2: {  	_ =	swait.ge [sflag:s26], $0x1  }
0xb3: {  	[sflag:s26] =	ssyncadd.s32 $0xFFFFFFFF  }
0xb4: {  	_ =	strace $0x90000048  }
0xb5: {  	_ =	sfence  }
0xb6: {  	s28 =	sld [smem:$0x0];
	_ =	sdelay $0x1  }
0xb7: {  	s29 =	srdreg.scid  }
0xb8: {  	s30 =	sshll.u32 s29, $0xD;
	s31 =	sshrl.u32 s29, $0x2  }
0xb9: {  	s1 =	sand.u32 $0x1, s29;
	s2 =	sand.u32 $0x4000, s30;
	s0 =	sadd.s32 s31, s28  }
0xba: {  	s1 =	sor.u32 s2, s1;
	s0 =	sshll.u32 s0, $0x11  }
0xbb: {  	s0 =	sor.u32 s0, s1  }
0xbc: {  	s0 =	sadd.s32 $0x8F2B, s0  }
0xbd: {  	[sflag:s0] =	ssyncadd.remote.s32 $0x1  }
0xbe: {  	_ =	sfence.sel $0xFFFF  }
0xbf: {  	[dreg:$0x0] =	wrdreg $0xFFFFFFFF;
	(pc) =	sbr.abs _section_cstart, $3  }
0xc0: {  	[dreg:$0x1] =	wrdreg $0xFFFFFFFF  }
0xc1: {  	_ =	task.clear_ibuf [dreg:s6], $0x2FFFF;
	_ =	strace $0x9FFFFFFF  }
0xc2: {  	(tm) =	ssettm $0x7FFFFFFF  }
0xc3: {  	_ =	shalt  }
tec
execute0_lowered:
.L_overlay_start_1:
0x0: {  	(tag) =	ssettag $0x1  }
0x1: {  	s1 =	rddreg [dreg:$0x0]  }
0x2: {  	s3 =	rddreg [dreg:$0x1]  }
0x3: {  	s6 =	rddreg [dreg:$0x2];
	s4 =	simm.s32 $0x0  }
0x4: {  	[smem:$0x7FF] =	sst s4  }
0x5: {  	s0 =	rddreg [dreg:$0x3];
	_ =	strace $0x80000047  }
0x6: {  	[tilespmem:s4], [sflag:$0x1] =	stream.linear.gather [hbm4b:s1+s4], $0x800, $0x38;
	[tilespmem:$0x4800] =	vst v63  }
0x7: {  	s5 =	simm.s32 $0x1;
	s1 =	stileid.u32  }
0x8: {  	s2 =	sshll.u32 s1, $0xB;
	_ =	swait.ge [sflag:s5], $0x800  }
0x9: {  	s3 =	sadd.s32 s2, s3;
	[sflag:s5] =	ssyncset.done $0x0  }
0xa: {  	s7 =	simm.s32 $0x800;
	s3 =	sadd.s32 $0x78000, s3;
	[sflag:s5] =	ssyncadd.s32 $0xFFFFF800  }
0xb: {  	[tilespmem:s7], [sflag:$0x1] =	stream.linear.gather [hbm4b:s3+s4], $0x4000, $0x38;
	[tilespmem:$0x4800] =	vst v63  }
0xc: {  	_ =	swait.ge [sflag:s5], $0x4000  }
0xd: {  	[sflag:s5] =	ssyncset.done $0x0  }
0xe: {  	[sflag:s5] =	ssyncadd.s32 $0xFFFFC000;
	s5 =	simm.s32 $0x40  }
0xf: {  	v0 =	vld [tilespmem:s5+$0xFFFFFFC0]  }
0x10: {  	v2 =	vld [tilespmem:s5+$0xFFFFFFD0]  }
0x11: {  	v3 =	vld [tilespmem:s5+$0xFFFFFFE0]  }
0x12: {  	s3 =	sadd.s32 $0x600, s6;
	s6 =	simm.s32 $0x1000;
	v1 =	vld [tilespmem:s5+$0x30]  }
.LBB2_1:
0x13: {  	p0 =	sne.s32 s6, $0xF000;
	v5 =	vld [tilespmem:s5+$0xFFFFFFF0]  }
0x14: {  	v6 =	vld [tilespmem:s5+$0x0]  }
0x15: {  	v4 =	vld [tilespmem:s5+$0x10]  }
0x16: {  	s7 =	sshra.s32 s4, $0x2;
	s4 =	smov.u32 s6;
	v7 =	vld [tilespmem:s5+$0x20]  }
0x17: {  	[tilespmem:s7+$0xBF0] =	vst.add.f32.msk $0xffff, v1  }
0x18: {  	[tilespmem:s7+$0x800] =	vst.add.f32.msk $0xffff, v0  }
0x19: {  	[tilespmem:s7+$0x810] =	vst.add.f32.msk $0xffff, v2  }
0x1a: {  	[tilespmem:s7+$0x820] =	vst.add.f32.msk $0xffff, v3  }
0x1b: {  	[tilespmem:s7+$0x830] =	vst.add.f32.msk $0xffff, v5  }
0x1c: {  	[tilespmem:s7+$0x840] =	vst.add.f32.msk $0xffff, v6  }
0x1d: {  	[tilespmem:s7+$0x890] =	vst.add.f32.msk $0xffff, v2  }
0x1e: {  	[tilespmem:s7+$0xB60] =	vst.add.f32.msk $0xffff, v7  }
0x1f: {  	[tilespmem:s7+$0xB50] =	vst.add.f32.msk $0xffff, v4  }
0x20: {  	[tilespmem:s7+$0xB40] =	vst.add.f32.msk $0xffff, v6  }
0x21: {  	[tilespmem:s7+$0xB30] =	vst.add.f32.msk $0xffff, v5  }
0x22: {  	[tilespmem:s7+$0xB20] =	vst.add.f32.msk $0xffff, v3  }
0x23: {  	[tilespmem:s7+$0xB10] =	vst.add.f32.msk $0xffff, v2  }
0x24: {  	[tilespmem:s7+$0xB00] =	vst.add.f32.msk $0xffff, v0  }
0x25: {  	[tilespmem:s7+$0xAF0] =	vst.add.f32.msk $0xffff, v1  }
0x26: {  	[tilespmem:s7+$0xAE0] =	vst.add.f32.msk $0xffff, v7  }
0x27: {  	[tilespmem:s7+$0xAD0] =	vst.add.f32.msk $0xffff, v4  }
0x28: {  	[tilespmem:s7+$0xAC0] =	vst.add.f32.msk $0xffff, v6  }
0x29: {  	[tilespmem:s7+$0xAB0] =	vst.add.f32.msk $0xffff, v5  }
0x2a: {  	[tilespmem:s7+$0xAA0] =	vst.add.f32.msk $0xffff, v3  }
0x2b: {  	[tilespmem:s7+$0xA90] =	vst.add.f32.msk $0xffff, v2  }
0x2c: {  	[tilespmem:s7+$0xA80] =	vst.add.f32.msk $0xffff, v0  }
0x2d: {  	[tilespmem:s7+$0xA70] =	vst.add.f32.msk $0xffff, v1  }
0x2e: {  	[tilespmem:s7+$0xA60] =	vst.add.f32.msk $0xffff, v7  }
0x2f: {  	[tilespmem:s7+$0xA50] =	vst.add.f32.msk $0xffff, v4  }
0x30: {  	[tilespmem:s7+$0xA40] =	vst.add.f32.msk $0xffff, v6  }
0x31: {  	[tilespmem:s7+$0xA30] =	vst.add.f32.msk $0xffff, v5  }
0x32: {  	[tilespmem:s7+$0xA20] =	vst.add.f32.msk $0xffff, v3  }
0x33: {  	[tilespmem:s7+$0xA10] =	vst.add.f32.msk $0xffff, v2  }
0x34: {  	[tilespmem:s7+$0xA00] =	vst.add.f32.msk $0xffff, v0  }
0x35: {  	[tilespmem:s7+$0x9F0] =	vst.add.f32.msk $0xffff, v1  }
0x36: {  	[tilespmem:s7+$0x9E0] =	vst.add.f32.msk $0xffff, v7  }
0x37: {  	[tilespmem:s7+$0x9D0] =	vst.add.f32.msk $0xffff, v4  }
0x38: {  	[tilespmem:s7+$0x9C0] =	vst.add.f32.msk $0xffff, v6  }
0x39: {  	[tilespmem:s7+$0x9B0] =	vst.add.f32.msk $0xffff, v5  }
0x3a: {  	[tilespmem:s7+$0x9A0] =	vst.add.f32.msk $0xffff, v3  }
0x3b: {  	[tilespmem:s7+$0x990] =	vst.add.f32.msk $0xffff, v2  }
0x3c: {  	[tilespmem:s7+$0x980] =	vst.add.f32.msk $0xffff, v0  }
0x3d: {  	[tilespmem:s7+$0x970] =	vst.add.f32.msk $0xffff, v1  }
0x3e: {  	[tilespmem:s7+$0x960] =	vst.add.f32.msk $0xffff, v7  }
0x3f: {  	[tilespmem:s7+$0x950] =	vst.add.f32.msk $0xffff, v4  }
0x40: {  	[tilespmem:s7+$0x940] =	vst.add.f32.msk $0xffff, v6  }
0x41: {  	[tilespmem:s7+$0x930] =	vst.add.f32.msk $0xffff, v5  }
0x42: {  	[tilespmem:s7+$0x920] =	vst.add.f32.msk $0xffff, v3  }
0x43: {  	[tilespmem:s7+$0x910] =	vst.add.f32.msk $0xffff, v2  }
0x44: {  	[tilespmem:s7+$0x900] =	vst.add.f32.msk $0xffff, v0  }
0x45: {  	[tilespmem:s7+$0x8F0] =	vst.add.f32.msk $0xffff, v1  }
0x46: {  	[tilespmem:s7+$0x8E0] =	vst.add.f32.msk $0xffff, v7  }
0x47: {  	[tilespmem:s7+$0x8D0] =	vst.add.f32.msk $0xffff, v4  }
0x48: {  	[tilespmem:s7+$0x8C0] =	vst.add.f32.msk $0xffff, v6  }
0x49: {  	[tilespmem:s7+$0x8B0] =	vst.add.f32.msk $0xffff, v5  }
0x4a: {  	[tilespmem:s7+$0x8A0] =	vst.add.f32.msk $0xffff, v3  }
0x4b: {  	[tilespmem:s7+$0x880] =	vst.add.f32.msk $0xffff, v0  }
0x4c: {  	[tilespmem:s7+$0xBE0] =	vst.add.f32.msk $0xffff, v7  }
0x4d: {  	[tilespmem:s7+$0xBD0] =	vst.add.f32.msk $0xffff, v4  }
0x4e: {  	[tilespmem:s7+$0xBC0] =	vst.add.f32.msk $0xffff, v6  }
0x4f: {  	[tilespmem:s7+$0xBB0] =	vst.add.f32.msk $0xffff, v5  }
0x50: {  	[tilespmem:s7+$0xBA0] =	vst.add.f32.msk $0xffff, v3  }
0x51: {  	[tilespmem:s7+$0xB90] =	vst.add.f32.msk $0xffff, v2  }
0x52: {  	[tilespmem:s7+$0xB80] =	vst.add.f32.msk $0xffff, v0  }
0x53: {  	[tilespmem:s7+$0xB70] =	vst.add.f32.msk $0xffff, v1  }
0x54: {  	[tilespmem:s7+$0x870] =	vst.add.f32.msk $0xffff, v1  }
0x55: {  	[tilespmem:s7+$0x860] =	vst.add.f32.msk $0xffff, v7  }
.Ltmp0:
0x56: {  	s5 =	sadd.s32 $0x80, s5;
	[tilespmem:s7+$0x850] =	vst.add.f32.msk $0xffff, v4;
	(pc) =	sbr.rel @p0 .LBB2_1-.Ltmp0, $4  }
0x57: {  	v0 =	vld [tilespmem:s5+$0xFFFFFFC0]  }
0x58: {  	v2 =	vld [tilespmem:s5+$0xFFFFFFD0]  }
0x59: {  	v3 =	vld [tilespmem:s5+$0xFFFFFFE0]  }
0x5a: {  	s6 =	sadd.s32 $0x1000, s6;
	v1 =	vld [tilespmem:s5+$0x30]  }
0x5b: {  	v4 =	vld [tilespmem:s5+$0xFFFFFFF0]  }
0x5c: {  	v5 =	vld [tilespmem:s5+$0x0]  }
0x5d: {  	v6 =	vld [tilespmem:s5+$0x10]  }
0x5e: {  	v7 =	vld [tilespmem:s5+$0x20];
	s4 =	sshra.s32 s4, $0x2  }
0x5f: {  	[tilespmem:s4+$0x800] =	vst.add.f32.msk $0xffff, v0  }
0x60: {  	[tilespmem:s4+$0xB00] =	vst.add.f32.msk $0xffff, v0  }
0x61: {  	[tilespmem:s4+$0xA80] =	vst.add.f32.msk $0xffff, v0  }
0x62: {  	[tilespmem:s4+$0xA00] =	vst.add.f32.msk $0xffff, v0  }
0x63: {  	[tilespmem:s4+$0x980] =	vst.add.f32.msk $0xffff, v0  }
0x64: {  	[tilespmem:s4+$0x900] =	vst.add.f32.msk $0xffff, v0  }
0x65: {  	[tilespmem:s4+$0x880] =	vst.add.f32.msk $0xffff, v0  }
0x66: {  	[tilespmem:s4+$0xB80] =	vst.add.f32.msk $0xffff, v0  }
0x67: {  	[tilespmem:s4+$0x810] =	vst.add.f32.msk $0xffff, v2  }
0x68: {  	[tilespmem:s4+$0x890] =	vst.add.f32.msk $0xffff, v2  }
0x69: {  	[tilespmem:s4+$0xB10] =	vst.add.f32.msk $0xffff, v2  }
0x6a: {  	[tilespmem:s4+$0xA90] =	vst.add.f32.msk $0xffff, v2  }
0x6b: {  	[tilespmem:s4+$0xA10] =	vst.add.f32.msk $0xffff, v2  }
0x6c: {  	[tilespmem:s4+$0x990] =	vst.add.f32.msk $0xffff, v2  }
0x6d: {  	[tilespmem:s4+$0x910] =	vst.add.f32.msk $0xffff, v2  }
0x6e: {  	[tilespmem:s4+$0xB90] =	vst.add.f32.msk $0xffff, v2  }
0x6f: {  	[tilespmem:s4+$0x820] =	vst.add.f32.msk $0xffff, v3  }
0x70: {  	[tilespmem:s4+$0xB20] =	vst.add.f32.msk $0xffff, v3  }
0x71: {  	[tilespmem:s4+$0xAA0] =	vst.add.f32.msk $0xffff, v3  }
0x72: {  	[tilespmem:s4+$0xA20] =	vst.add.f32.msk $0xffff, v3  }
0x73: {  	[tilespmem:s4+$0x9A0] =	vst.add.f32.msk $0xffff, v3  }
0x74: {  	[tilespmem:s4+$0x920] =	vst.add.f32.msk $0xffff, v3  }
0x75: {  	[tilespmem:s4+$0x8A0] =	vst.add.f32.msk $0xffff, v3  }
0x76: {  	[tilespmem:s4+$0xBA0] =	vst.add.f32.msk $0xffff, v3  }
0x77: {  	[tilespmem:s4+$0xBF0] =	vst.add.f32.msk $0xffff, v1  }
0x78: {  	[tilespmem:s4+$0xAF0] =	vst.add.f32.msk $0xffff, v1  }
0x79: {  	[tilespmem:s4+$0xA70] =	vst.add.f32.msk $0xffff, v1  }
0x7a: {  	[tilespmem:s4+$0x9F0] =	vst.add.f32.msk $0xffff, v1  }
0x7b: {  	[tilespmem:s4+$0x970] =	vst.add.f32.msk $0xffff, v1  }
0x7c: {  	[tilespmem:s4+$0x8F0] =	vst.add.f32.msk $0xffff, v1  }
0x7d: {  	[tilespmem:s4+$0xB70] =	vst.add.f32.msk $0xffff, v1  }
0x7e: {  	[tilespmem:s4+$0x870] =	vst.add.f32.msk $0xffff, v1  }
0x7f: {  	[tilespmem:s4+$0x830] =	vst.add.f32.msk $0xffff, v4  }
0x80: {  	[tilespmem:s4+$0x840] =	vst.add.f32.msk $0xffff, v5  }
0x81: {  	[tilespmem:s4+$0xB60] =	vst.add.f32.msk $0xffff, v7  }
0x82: {  	[tilespmem:s4+$0xB50] =	vst.add.f32.msk $0xffff, v6  }
0x83: {  	[tilespmem:s4+$0xB40] =	vst.add.f32.msk $0xffff, v5  }
0x84: {  	[tilespmem:s4+$0xB30] =	vst.add.f32.msk $0xffff, v4  }
0x85: {  	[tilespmem:s4+$0xAE0] =	vst.add.f32.msk $0xffff, v7  }
0x86: {  	[tilespmem:s4+$0xAD0] =	vst.add.f32.msk $0xffff, v6  }
0x87: {  	[tilespmem:s4+$0xAC0] =	vst.add.f32.msk $0xffff, v5  }
0x88: {  	[tilespmem:s4+$0xAB0] =	vst.add.f32.msk $0xffff, v4  }
0x89: {  	[tilespmem:s4+$0xA60] =	vst.add.f32.msk $0xffff, v7  }
0x8a: {  	[tilespmem:s4+$0xA50] =	vst.add.f32.msk $0xffff, v6  }
0x8b: {  	[tilespmem:s4+$0xA40] =	vst.add.f32.msk $0xffff, v5  }
0x8c: {  	[tilespmem:s4+$0xA30] =	vst.add.f32.msk $0xffff, v4  }
0x8d: {  	[tilespmem:s4+$0x9E0] =	vst.add.f32.msk $0xffff, v7  }
0x8e: {  	[tilespmem:s4+$0x9D0] =	vst.add.f32.msk $0xffff, v6  }
0x8f: {  	[tilespmem:s4+$0x9C0] =	vst.add.f32.msk $0xffff, v5  }
0x90: {  	[tilespmem:s4+$0x9B0] =	vst.add.f32.msk $0xffff, v4  }
0x91: {  	[tilespmem:s4+$0x960] =	vst.add.f32.msk $0xffff, v7  }
0x92: {  	[tilespmem:s4+$0x950] =	vst.add.f32.msk $0xffff, v6  }
0x93: {  	[tilespmem:s4+$0x940] =	vst.add.f32.msk $0xffff, v5  }
0x94: {  	[tilespmem:s4+$0x930] =	vst.add.f32.msk $0xffff, v4  }
0x95: {  	[tilespmem:s4+$0x8E0] =	vst.add.f32.msk $0xffff, v7  }
0x96: {  	[tilespmem:s4+$0x8D0] =	vst.add.f32.msk $0xffff, v6  }
0x97: {  	[tilespmem:s4+$0x8C0] =	vst.add.f32.msk $0xffff, v5  }
0x98: {  	[tilespmem:s4+$0x8B0] =	vst.add.f32.msk $0xffff, v4  }
0x99: {  	[tilespmem:s4+$0xBE0] =	vst.add.f32.msk $0xffff, v7  }
0x9a: {  	[tilespmem:s4+$0xBD0] =	vst.add.f32.msk $0xffff, v6  }
0x9b: {  	[tilespmem:s4+$0xBC0] =	vst.add.f32.msk $0xffff, v5  }
0x9c: {  	[tilespmem:s4+$0xBB0] =	vst.add.f32.msk $0xffff, v4  }
0x9d: {  	s2 =	sadd.s32 s3, s2;
	[tilespmem:s4+$0x860] =	vst.add.f32.msk $0xffff, v7  }
0x9e: {  	s29 =	simm.s32 $0x0;
	s30 =	simm.s32 $0x800;
	s31 =	simm.s32 $0x1;
	[tilespmem:s4+$0x850] =	vst.add.f32.msk $0xffff, v6  }
0x9f: {  	[hbm4b:s2+s29] =	stream.linear.scatter [tilespmem:s30], [sflag:$0x1], $0x4000, $0x38;
	[tilespmem:$0x4800] =	vst v63  }
0xa0: {  	_ =	swait.ge [sflag:s31], $0x4000  }
0xa1: {  	[sflag:s31] =	ssyncset.done $0x0  }
0xa2: {  	[sflag:s31] =	ssyncadd.s32 $0xFFFFC000  }
0xa3: {  	_ =	sfence.sel $0x180000  }
0xa4: {  	[bflag:$0x0] =	sbarrier.arrive $0xFFFF  }
0xa5: {  	p0 =	sne.s32 s1, $0x0;
	_ =	strace $0x90000047  }
0xa6: {  	s0 =	sadd.s32 @!p0 $0x100000, s0;
	[bflag:$0x2] =	sbarrier.arrive $0xFFFF  }
0xa7: {  	[sflag:s0] =	ssyncadd.tile.s32 @!p0 $0x1;
	_ =	shalt  }
.Lfunc_end2:
_tile_overlayer_lowered:
.L_overlay_start_2:
0xa8: {  	(tag) =	ssettag $0x2  }
0xa9: {  	s0 =	rddreg [dreg:$0x0];
	s2 =	stileid.u32  }
0xaa: {  	s1 =	rddreg [dreg:$0x1];
	p0 =	sne.s32 s2, $0x0  }
0xab: {  	s3 =	rddreg [dreg:$0x2];
	[bflag:$0x3] =	sbarrier.arrive $0xFFFF;
	s2 =	simm.s32 @!p0 $0x1C01  }
0xac: {  	[timem:s3], [sflag:s2] =	dma.local @!p0 [hbm:s0], s1  }
0xad: {  	s0 =	simm.s32 @!p0 $0x1  }
0xae: {  	_ =	swait.ge @!p0 [sflag:s0], s1  }
0xaf: {  	s1 =	ssub.s32 @!p0 $0x0, s1;
	[sflag:s0] =	ssyncset.done @!p0 $0x0  }
0xb0: {  	[sflag:s0] =	ssyncadd.s32 @!p0 s1  }
0xb1: {  	[bflag:$0x3] =	sbarrier.arrive $0xFFFF  }
0xb2: {  	_ =	shalt  }

</sc_bundles>
